<compile_context>
chip_gen: v7x
topology: tpu7x:2x2x1
jax: 0.10.2.dev20260603
libtpu: 0.0.44.dev20260713+nightly
codegen_flags: <defaults>
</compile_context>

<pallas_src>
import functools

import jax
import jax.numpy as jnp
from jax import lax
from jax.experimental import pallas as pl
from jax.experimental.pallas import tpu as pltpu
from jax.experimental.pallas import tpu_sc as plsc

WINDOW = 127
LANES = 16
NCHUNK = 8
XPAD = 144
NBUF = 3


def _sc_body(C, W, pairs_per_worker, num_cores,
             in_hbm, pos_hbm, out_hbm, pos_v, slab, stage, in_sem, out_sem):
    wid = lax.axis_index("s") * num_cores + lax.axis_index("c")
    pltpu.sync_copy(pos_hbm, pos_v)

    def scalar_at(k):
        splat = plsc.load_gather(pos_v, [jnp.full((LANES,), k, jnp.int32)])
        return jnp.max(splat)

    def coords(t):
        pair = wid * pairs_per_worker + t
        return pair // C, pair % C

    def window(t):
        b, c = coords(t)
        y = scalar_at(2 * b)
        x = scalar_at(2 * b + 1)
        xb = pl.multiple_of(
            lax.min((x // LANES) * LANES, jnp.int32(W - XPAD)), LANES)
        return b, c, y, xb, x - xb

    def start_in(t, k):
        b, c, y, xb, _ = window(t)
        pltpu.make_async_copy(
            in_hbm.at[b, c, pl.ds(y, WINDOW), pl.ds(xb, XPAD)],
            slab.at[k], in_sem.at[k]).start()

    def wait_in(k):
        pltpu.make_async_copy(
            in_hbm.at[0, 0, pl.ds(0, WINDOW), pl.ds(0, XPAD)],
            slab.at[k], in_sem.at[k]).wait()

    def start_out(t, k):
        b, c = coords(t)
        pltpu.make_async_copy(
            stage.at[k], out_hbm.at[b, c], out_sem.at[k]).start()

    def wait_out(k):
        pltpu.make_async_copy(
            stage.at[k], out_hbm.at[0, 0], out_sem.at[k]).wait()

    offs = tuple(j * LANES for j in range(NCHUNK - 1)) + (WINDOW - LANES,)

    def shift(t, k):
        _, _, _, _, dx = window(t)

        @plsc.parallel_loop(0, WINDOW, unroll=4)
        def _row(i):
            vals = [slab[k, i, pl.ds(dx + o, LANES)] for o in offs]
            for o, v in zip(offs, vals):
                stage[k, i, pl.ds(o, LANES)] = v

    for p in range(NBUF):
        start_in(p, p)

    def step(t, carry):
        k = lax.rem(t, NBUF)
        wait_in(k)

        @pl.when(t >= NBUF)
        def _():
            wait_out(k)

        shift(t, k)
        start_out(t, k)

        @pl.when(t + NBUF < pairs_per_worker)
        def _():
            start_in(t + NBUF, k)

        return carry

    lax.fori_loop(0, pairs_per_worker, step, 0)
    for p in range(NBUF):
        wait_out(p)


def kernel(input, pos):
    B, C, H, W = input.shape
    info = plsc.get_sparse_core_info()
    num_workers = info.num_cores * info.num_subcores
    pairs_per_worker = (B * C) // num_workers
    mesh = plsc.VectorSubcoreMesh(core_axis_name="c", subcore_axis_name="s")
    run = pl.kernel(
        functools.partial(_sc_body, C, W, pairs_per_worker, info.num_cores),
        out_type=jax.ShapeDtypeStruct((B, C, WINDOW, WINDOW), input.dtype),
        mesh=mesh,
        scratch_types=[
            pltpu.VMEM((2 * B,), jnp.int32),
            pltpu.VMEM((NBUF, WINDOW, XPAD), jnp.float32),
            pltpu.VMEM((NBUF, WINDOW, WINDOW), jnp.float32),
            pltpu.SemaphoreType.DMA((NBUF,)),
            pltpu.SemaphoreType.DMA((NBUF,)),
        ],
        compiler_params=pltpu.CompilerParams(
            use_tc_tiling_on_sc=False, needs_layout_passes=False),
    )
    return run(input, pos.astype(jnp.int32).reshape(-1))

# --- scband reference (transcript-rebuilt; emitter-appended) ---
"""Pipeline reference for scband-get-sub-window-23527830847651 (READ-ONLY COPY).

The authoritative reference and input builder live on the scoring server;
editing this copy changes nothing except your own understanding.
"""

import jax, jax.numpy as jnp
import numpy as np

WIN = 127

def setup_inputs(seed: int = 0) -> dict:
    key = jax.random.key(seed)
    k1, k2 = jax.random.split(key)
    inp = jax.random.normal(k1, (16, 64, 512, 512), dtype=jnp.float32)
    pos = jax.random.randint(k2, (16, 2), 0, 385)
    return {"input": inp, "pos": pos}

def reference(input, pos):
    # ons.GetSubWindow(input, pos): extract a fixed-size sub-window (WIN x WIN)
    # from each batch element of input[B, C, H, W] at top-left corner pos[b] = (y, x).
    # Pure gather: out[b, c, i, j] = input[b, c, pos[b,0]+i, pos[b,1]+j]
    B = input.shape[0]
    w = jnp.arange(WIN)
    ys = pos[:, 0][:, None] + w[None, :]          # [B, WIN]
    xs = pos[:, 1][:, None] + w[None, :]          # [B, WIN]
    b = jnp.arange(B)[:, None, None]              # [B, 1, 1]
    # advanced indexing with a slice between advanced indices -> result [B, WIN, WIN, C]
    out = input[b, :, ys[:, :, None], xs[:, None, :]]
    return jnp.transpose(out, (0, 3, 1, 2))       # [B, C, WIN, WIN]

if __name__ == "__main__":
    import jax
    _d = setup_inputs()
    print(jax.jit(kernel)(*tuple(_d.values())))

</pallas_src>

<mosaic_0001>
#map = affine_map<(d0, d1) -> (0, 0, 0, 0)>
#map1 = affine_map<(d0, d1) -> (0)>
module attributes {stable_mosaic.version = 14 : i64} {
  func.func @_sc_body(%arg0: i32, %arg1: i32, %arg2: memref<16x64x512x512xf32, #tpu.memory_space<hbm>>, %arg3: memref<32xi32, #tpu.memory_space<hbm>>, %arg4: memref<16x64x127x127xf32, #tpu.memory_space<hbm>>, %arg5: memref<32xi32, #tpu.memory_space<vmem>>, %arg6: memref<3x127x144xf32, #tpu.memory_space<vmem>>, %arg7: memref<3x127x127xf32, #tpu.memory_space<vmem>>, %arg8: memref<3x!tpu.dma_semaphore, #tpu.memory_space<semaphore_mem>>, %arg9: memref<3x!tpu.dma_semaphore, #tpu.memory_space<semaphore_mem>>) attributes {dimension_semantics = [#tpu.dimension_semantics<core_parallel>, #tpu.dimension_semantics<subcore_parallel>], iteration_bounds = array<i64: 2, 16>, scalar_prefetch = 0 : i64, scratch_operands = 5 : i64, tpu.core_type = #tpu.core_type<sc_vector_subcore>, window_params = [{transform_indices = #map}, {transform_indices = #map1}, {transform_indices = #map}]} {
    %mul3A = arith.constant 2 : i32
    %mul3A_0 = arith.muli %arg1, %mul3A : i32
    %add3A = arith.addi %mul3A_0, %arg0 : i32
    "tpu.region"() ({
      %run_scoped3A = tpu.sem_alloc : memref<!tpu.dma_semaphore, #tpu.memory_space<semaphore_mem>>
      tpu.enqueue_dma source(%arg3 : memref<32xi32, #tpu.memory_space<hbm>>) target(%arg5 : memref<32xi32, #tpu.memory_space<vmem>>) target_semaphore(%run_scoped3A : memref<!tpu.dma_semaphore, #tpu.memory_space<semaphore_mem>>)
      tpu.wait_dma2 semaphore(%run_scoped3A : memref<!tpu.dma_semaphore, #tpu.memory_space<semaphore_mem>>) src(%arg3 : memref<32xi32, #tpu.memory_space<hbm>>) dst(%arg5 : memref<32xi32, #tpu.memory_space<vmem>>)
      tpu.yield
    }) : () -> ()
    %mul3A_1 = arith.constant 32 : i32
    %mul3A_2 = arith.muli %add3A, %mul3A_1 : i32
    %add3A_3 = arith.constant 0 : i32
    %add3A_4 = arith.addi %mul3A_2, %add3A_3 : i32
    %jit3A = arith.constant 64 : i32
    %div3A = arith.divsi %add3A_4, %jit3A : i32
    %sign3A = arith.constant 0 : i32
    %sign3A_5 = arith.cmpi sgt, %add3A_4, %sign3A : i32
    %sign3A_6 = arith.extui %sign3A_5 : i1 to i32
    %sign3A_7 = arith.constant 0 : i32
    %sign3A_8 = arith.cmpi slt, %add3A_4, %sign3A_7 : i32
    %sign3A_9 = arith.extui %sign3A_8 : i1 to i32
    %sign3A_10 = arith.subi %sign3A_6, %sign3A_9 : i32
    %sign3A_11 = arith.constant 0 : i32
    %sign3A_12 = arith.cmpi sgt, %jit3A, %sign3A_11 : i32
    %sign3A_13 = arith.extui %sign3A_12 : i1 to i32
    %sign3A_14 = arith.constant 0 : i32
    %sign3A_15 = arith.cmpi slt, %jit3A, %sign3A_14 : i32
    %sign3A_16 = arith.extui %sign3A_15 : i1 to i32
    %sign3A_17 = arith.subi %sign3A_13, %sign3A_16 : i32
    %ne3A = arith.cmpi ne, %sign3A_10, %sign3A_17 : i32
    %rem3A = arith.remsi %add3A_4, %jit3A : i32
    %ne3A_18 = arith.constant 0 : i32
    %ne3A_19 = arith.cmpi ne, %rem3A, %ne3A_18 : i32
    %and3A = arith.andi %ne3A, %ne3A_19 : i1
    %sub3A = arith.constant 1 : i32
    %sub3A_20 = arith.subi %div3A, %sub3A : i32
    %select_n3A = arith.select %and3A, %sub3A_20, %div3A : i32
    %jit3A_21 = arith.constant 64 : i32
    %eq3A = arith.constant 0 : i32
    %eq3A_22 = arith.cmpi eq, %jit3A_21, %eq3A : i32
    %jit3A_23 = arith.constant 1 : i32
    %select_n3A_24 = arith.select %eq3A_22, %jit3A_23, %jit3A_21 : i32
    %rem3A_25 = arith.remsi %add3A_4, %select_n3A_24 : i32
    %ne3A_26 = arith.constant 0 : i32
    %ne3A_27 = arith.cmpi ne, %rem3A_25, %ne3A_26 : i32
    %lt3A = arith.constant 0 : i32
    %lt3A_28 = arith.cmpi slt, %rem3A_25, %lt3A : i32
    %lt3A_29 = arith.constant 0 : i32
    %lt3A_30 = arith.cmpi slt, %select_n3A_24, %lt3A_29 : i32
    %ne3A_31 = arith.xori %lt3A_28, %lt3A_30 : i1
    %and3A_32 = arith.andi %ne3A_31, %ne3A_27 : i1
    %add3A_33 = arith.addi %rem3A_25, %select_n3A_24 : i32
    %select_n3A_34 = arith.select %and3A_32, %add3A_33, %rem3A_25 : i32
    %mul3A_35 = arith.constant 2 : i32
    %mul3A_36 = arith.muli %mul3A_35, %select_n3A : i32
    %broadcast_in_dim3A = vector.broadcast %mul3A_36 : i32 to vector<16xi32>
    %gather3A = tpu.vector_load_idx %arg5[%broadcast_in_dim3A] : memref<32xi32, #tpu.memory_space<vmem>>[vector<16xi32>], vector<16xi32>,
    %reduce_max3A = arith.constant true
    %reduce_max3A_37 = vector.broadcast %reduce_max3A : i1 to vector<16xi1>
    %reduce_max3A_38 = arith.constant -2147483648 : i32
    %reduce_max3A_39 = vector.broadcast %reduce_max3A_38 : i32 to vector<16xi32>
    %reduce_max3A_40 = arith.xori %gather3A, %reduce_max3A_39 : vector<16xi32>
    %reduce_max3A_41 = tpu.scan <max>, %reduce_max3A_40 masked %reduce_max3A_37 : vector<16xi32>, vector<16xi1> -> vector<16xi32>
    %reduce_max3A_42 = arith.xori %reduce_max3A_41, %reduce_max3A_39 : vector<16xi32>
    %reduce_max3A_43 = vector.extract %reduce_max3A_42[15] : i32 from vector<16xi32>
    %mul3A_44 = arith.constant 2 : i32
    %mul3A_45 = arith.muli %mul3A_44, %select_n3A : i32
    %add3A_46 = arith.constant 1 : i32
    %add3A_47 = arith.addi %mul3A_45, %add3A_46 : i32
    %broadcast_in_dim3A_48 = vector.broadcast %add3A_47 : i32 to vector<16xi32>
    %gather3A_49 = tpu.vector_load_idx %arg5[%broadcast_in_dim3A_48] : memref<32xi32, #tpu.memory_space<vmem>>[vector<16xi32>], vector<16xi32>,
    %reduce_max3A_50 = arith.constant true
    %reduce_max3A_51 = vector.broadcast %reduce_max3A_50 : i1 to vector<16xi1>
    %reduce_max3A_52 = arith.constant -2147483648 : i32
    %reduce_max3A_53 = vector.broadcast %reduce_max3A_52 : i32 to vector<16xi32>
    %reduce_max3A_54 = arith.xori %gather3A_49, %reduce_max3A_53 : vector<16xi32>
    %reduce_max3A_55 = tpu.scan <max>, %reduce_max3A_54 masked %reduce_max3A_51 : vector<16xi32>, vector<16xi1> -> vector<16xi32>
    %reduce_max3A_56 = arith.xori %reduce_max3A_55, %reduce_max3A_53 : vector<16xi32>
    %reduce_max3A_57 = vector.extract %reduce_max3A_56[15] : i32 from vector<16xi32>
    %jit3A_58 = arith.constant 16 : i32
    %div3A_59 = arith.divsi %reduce_max3A_57, %jit3A_58 : i32
    %sign3A_60 = arith.constant 0 : i32
    %sign3A_61 = arith.cmpi sgt, %reduce_max3A_57, %sign3A_60 : i32
    %sign3A_62 = arith.extui %sign3A_61 : i1 to i32
    %sign3A_63 = arith.constant 0 : i32
    %sign3A_64 = arith.cmpi slt, %reduce_max3A_57, %sign3A_63 : i32
    %sign3A_65 = arith.extui %sign3A_64 : i1 to i32
    %sign3A_66 = arith.subi %sign3A_62, %sign3A_65 : i32
    %sign3A_67 = arith.constant 0 : i32
    %sign3A_68 = arith.cmpi sgt, %jit3A_58, %sign3A_67 : i32
    %sign3A_69 = arith.extui %sign3A_68 : i1 to i32
    %sign3A_70 = arith.constant 0 : i32
    %sign3A_71 = arith.cmpi slt, %jit3A_58, %sign3A_70 : i32
    %sign3A_72 = arith.extui %sign3A_71 : i1 to i32
    %sign3A_73 = arith.subi %sign3A_69, %sign3A_72 : i32
    %ne3A_74 = arith.cmpi ne, %sign3A_66, %sign3A_73 : i32
    %rem3A_75 = arith.remsi %reduce_max3A_57, %jit3A_58 : i32
    %ne3A_76 = arith.constant 0 : i32
    %ne3A_77 = arith.cmpi ne, %rem3A_75, %ne3A_76 : i32
    %and3A_78 = arith.andi %ne3A_74, %ne3A_77 : i1
    %sub3A_79 = arith.constant 1 : i32
    %sub3A_80 = arith.subi %div3A_59, %sub3A_79 : i32
    %select_n3A_81 = arith.select %and3A_78, %sub3A_80, %div3A_59 : i32
    %mul3A_82 = arith.constant 16 : i32
    %mul3A_83 = arith.muli %select_n3A_81, %mul3A_82 : i32
    %min3A = arith.constant 368 : i32
    %min3A_84 = arith.minsi %mul3A_83, %min3A : i32
    %multiple_of3A = tpu.assume_multiple %min3A_84, 16 : i32
    %sub3A_85 = arith.subi %reduce_max3A_57, %multiple_of3A : i32
    %dma_start3A = arith.constant 0 : i32
    %dma_start3A_86 = arith.constant 0 : i32
    %dma_start3A_87 = arith.constant 0 : i32
    %dma_start3A_88 = arith.constant 0 : i32
    %dma_start3A_89 = tpu.memref_slice %arg6[%dma_start3A, %dma_start3A_87, %dma_start3A_88] : memref<3x127x144xf32, #tpu.memory_space<vmem>> -> memref<1x127x144xf32, #tpu.memory_space<vmem>>
    %dma_start3A_90 = tpu.memref_squeeze %dma_start3A_89 : memref<1x127x144xf32, #tpu.memory_space<vmem>> -> memref<127x144xf32, #tpu.memory_space<vmem>>
    %dma_start3A_91 = tpu.memref_slice %arg2[%select_n3A, %select_n3A_34, %reduce_max3A_43, %multiple_of3A] : memref<16x64x512x512xf32, #tpu.memory_space<hbm>> -> memref<1x1x127x144xf32, #tpu.memory_space<hbm>>
    %dma_start3A_92 = tpu.memref_squeeze %dma_start3A_91 : memref<1x1x127x144xf32, #tpu.memory_space<hbm>> -> memref<127x144xf32, #tpu.memory_space<hbm>>
    %dma_start3A_93 = tpu.memref_slice %arg8[%dma_start3A_86] : memref<3x!tpu.dma_semaphore, #tpu.memory_space<semaphore_mem>> -> memref<1x!tpu.dma_semaphore, #tpu.memory_space<semaphore_mem>>
    %dma_start3A_94 = tpu.memref_squeeze %dma_start3A_93 : memref<1x!tpu.dma_semaphore, #tpu.memory_space<semaphore_mem>> -> memref<!tpu.dma_semaphore, #tpu.memory_space<semaphore_mem>>
    %dma_start3A_95 = arith.constant 0 : i32
    %dma_start3A_96 = arith.constant 0 : i32
    %dma_start3A_97 = tpu.memref_slice %arg6[%dma_start3A, %dma_start3A_95, %dma_start3A_96] : memref<3x127x144xf32, #tpu.memory_space<vmem>> -> memref<1x127x144xf32, #tpu.memory_space<vmem>>
    %dma_start3A_98 = tpu.memref_squeeze %dma_start3A_97 : memref<1x127x144xf32, #tpu.memory_space<vmem>> -> memref<127x144xf32, #tpu.memory_space<vmem>>
    %dma_start3A_99 = tpu.memref_slice %arg2[%select_n3A, %select_n3A_34, %reduce_max3A_43, %multiple_of3A] : memref<16x64x512x512xf32, #tpu.memory_space<hbm>> -> memref<1x1x127x144xf32, #tpu.memory_space<hbm>>
    %dma_start3A_100 = tpu.memref_squeeze %dma_start3A_99 : memref<1x1x127x144xf32, #tpu.memory_space<hbm>> -> memref<127x144xf32, #tpu.memory_space<hbm>>
    tpu.enqueue_dma source(%dma_start3A_100 : memref<127x144xf32, #tpu.memory_space<hbm>>) target(%dma_start3A_98 : memref<127x144xf32, #tpu.memory_space<vmem>>) target_semaphore(%dma_start3A_94 : memref<!tpu.dma_semaphore, #tpu.memory_space<semaphore_mem>>)
    %mul3A_101 = arith.constant 32 : i32
    %mul3A_102 = arith.muli %add3A, %mul3A_101 : i32
    %add3A_103 = arith.constant 1 : i32
    %add3A_104 = arith.addi %mul3A_102, %add3A_103 : i32
    %jit3A_105 = arith.constant 64 : i32
    %div3A_106 = arith.divsi %add3A_104, %jit3A_105 : i32
    %sign3A_107 = arith.constant 0 : i32
    %sign3A_108 = arith.cmpi sgt, %add3A_104, %sign3A_107 : i32
    %sign3A_109 = arith.extui %sign3A_108 : i1 to i32
    %sign3A_110 = arith.constant 0 : i32
    %sign3A_111 = arith.cmpi slt, %add3A_104, %sign3A_110 : i32
    %sign3A_112 = arith.extui %sign3A_111 : i1 to i32
    %sign3A_113 = arith.subi %sign3A_109, %sign3A_112 : i32
    %sign3A_114 = arith.constant 0 : i32
    %sign3A_115 = arith.cmpi sgt, %jit3A_105, %sign3A_114 : i32
    %sign3A_116 = arith.extui %sign3A_115 : i1 to i32
    %sign3A_117 = arith.constant 0 : i32
    %sign3A_118 = arith.cmpi slt, %jit3A_105, %sign3A_117 : i32
    %sign3A_119 = arith.extui %sign3A_118 : i1 to i32
    %sign3A_120 = arith.subi %sign3A_116, %sign3A_119 : i32
    %ne3A_121 = arith.cmpi ne, %sign3A_113, %sign3A_120 : i32
    %rem3A_122 = arith.remsi %add3A_104, %jit3A_105 : i32
    %ne3A_123 = arith.constant 0 : i32
    %ne3A_124 = arith.cmpi ne, %rem3A_122, %ne3A_123 : i32
    %and3A_125 = arith.andi %ne3A_121, %ne3A_124 : i1
    %sub3A_126 = arith.constant 1 : i32
    %sub3A_127 = arith.subi %div3A_106, %sub3A_126 : i32
    %select_n3A_128 = arith.select %and3A_125, %sub3A_127, %div3A_106 : i32
    %jit3A_129 = arith.constant 64 : i32
    %eq3A_130 = arith.constant 0 : i32
    %eq3A_131 = arith.cmpi eq, %jit3A_129, %eq3A_130 : i32
    %jit3A_132 = arith.constant 1 : i32
    %select_n3A_133 = arith.select %eq3A_131, %jit3A_132, %jit3A_129 : i32
    %rem3A_134 = arith.remsi %add3A_104, %select_n3A_133 : i32
    %ne3A_135 = arith.constant 0 : i32
    %ne3A_136 = arith.cmpi ne, %rem3A_134, %ne3A_135 : i32
    %lt3A_137 = arith.constant 0 : i32
    %lt3A_138 = arith.cmpi slt, %rem3A_134, %lt3A_137 : i32
    %lt3A_139 = arith.constant 0 : i32
    %lt3A_140 = arith.cmpi slt, %select_n3A_133, %lt3A_139 : i32
    %ne3A_141 = arith.xori %lt3A_138, %lt3A_140 : i1
    %and3A_142 = arith.andi %ne3A_141, %ne3A_136 : i1
    %add3A_143 = arith.addi %rem3A_134, %select_n3A_133 : i32
    %select_n3A_144 = arith.select %and3A_142, %add3A_143, %rem3A_134 : i32
    %mul3A_145 = arith.constant 2 : i32
    %mul3A_146 = arith.muli %mul3A_145, %select_n3A_128 : i32
    %broadcast_in_dim3A_147 = vector.broadcast %mul3A_146 : i32 to vector<16xi32>
    %gather3A_148 = tpu.vector_load_idx %arg5[%broadcast_in_dim3A_147] : memref<32xi32, #tpu.memory_space<vmem>>[vector<16xi32>], vector<16xi32>,
    %reduce_max3A_149 = arith.constant true
    %reduce_max3A_150 = vector.broadcast %reduce_max3A_149 : i1 to vector<16xi1>
    %reduce_max3A_151 = arith.constant -2147483648 : i32
    %reduce_max3A_152 = vector.broadcast %reduce_max3A_151 : i32 to vector<16xi32>
    %reduce_max3A_153 = arith.xori %gather3A_148, %reduce_max3A_152 : vector<16xi32>
    %reduce_max3A_154 = tpu.scan <max>, %reduce_max3A_153 masked %reduce_max3A_150 : vector<16xi32>, vector<16xi1> -> vector<16xi32>
    %reduce_max3A_155 = arith.xori %reduce_max3A_154, %reduce_max3A_152 : vector<16xi32>
    %reduce_max3A_156 = vector.extract %reduce_max3A_155[15] : i32 from vector<16xi32>
    %mul3A_157 = arith.constant 2 : i32
    %mul3A_158 = arith.muli %mul3A_157, %select_n3A_128 : i32
    %add3A_159 = arith.constant 1 : i32
    %add3A_160 = arith.addi %mul3A_158, %add3A_159 : i32
    %broadcast_in_dim3A_161 = vector.broadcast %add3A_160 : i32 to vector<16xi32>
    %gather3A_162 = tpu.vector_load_idx %arg5[%broadcast_in_dim3A_161] : memref<32xi32, #tpu.memory_space<vmem>>[vector<16xi32>], vector<16xi32>,
    %reduce_max3A_163 = arith.constant true
    %reduce_max3A_164 = vector.broadcast %reduce_max3A_163 : i1 to vector<16xi1>
    %reduce_max3A_165 = arith.constant -2147483648 : i32
    %reduce_max3A_166 = vector.broadcast %reduce_max3A_165 : i32 to vector<16xi32>
    %reduce_max3A_167 = arith.xori %gather3A_162, %reduce_max3A_166 : vector<16xi32>
    %reduce_max3A_168 = tpu.scan <max>, %reduce_max3A_167 masked %reduce_max3A_164 : vector<16xi32>, vector<16xi1> -> vector<16xi32>
    %reduce_max3A_169 = arith.xori %reduce_max3A_168, %reduce_max3A_166 : vector<16xi32>
    %reduce_max3A_170 = vector.extract %reduce_max3A_169[15] : i32 from vector<16xi32>
    %jit3A_171 = arith.constant 16 : i32
    %div3A_172 = arith.divsi %reduce_max3A_170, %jit3A_171 : i32
    %sign3A_173 = arith.constant 0 : i32
    %sign3A_174 = arith.cmpi sgt, %reduce_max3A_170, %sign3A_173 : i32
    %sign3A_175 = arith.extui %sign3A_174 : i1 to i32
    %sign3A_176 = arith.constant 0 : i32
    %sign3A_177 = arith.cmpi slt, %reduce_max3A_170, %sign3A_176 : i32
    %sign3A_178 = arith.extui %sign3A_177 : i1 to i32
    %sign3A_179 = arith.subi %sign3A_175, %sign3A_178 : i32
    %sign3A_180 = arith.constant 0 : i32
    %sign3A_181 = arith.cmpi sgt, %jit3A_171, %sign3A_180 : i32
    %sign3A_182 = arith.extui %sign3A_181 : i1 to i32
    %sign3A_183 = arith.constant 0 : i32
    %sign3A_184 = arith.cmpi slt, %jit3A_171, %sign3A_183 : i32
    %sign3A_185 = arith.extui %sign3A_184 : i1 to i32
    %sign3A_186 = arith.subi %sign3A_182, %sign3A_185 : i32
    %ne3A_187 = arith.cmpi ne, %sign3A_179, %sign3A_186 : i32
    %rem3A_188 = arith.remsi %reduce_max3A_170, %jit3A_171 : i32
    %ne3A_189 = arith.constant 0 : i32
    %ne3A_190 = arith.cmpi ne, %rem3A_188, %ne3A_189 : i32
    %and3A_191 = arith.andi %ne3A_187, %ne3A_190 : i1
    %sub3A_192 = arith.constant 1 : i32
    %sub3A_193 = arith.subi %div3A_172, %sub3A_192 : i32
    %select_n3A_194 = arith.select %and3A_191, %sub3A_193, %div3A_172 : i32
    %mul3A_195 = arith.constant 16 : i32
    %mul3A_196 = arith.muli %select_n3A_194, %mul3A_195 : i32
    %min3A_197 = arith.constant 368 : i32
    %min3A_198 = arith.minsi %mul3A_196, %min3A_197 : i32
    %multiple_of3A_199 = tpu.assume_multiple %min3A_198, 16 : i32
    %sub3A_200 = arith.subi %reduce_max3A_170, %multiple_of3A_199 : i32
    %dma_start3A_201 = arith.constant 1 : i32
    %dma_start3A_202 = arith.constant 1 : i32
    %dma_start3A_203 = arith.constant 0 : i32
    %dma_start3A_204 = arith.constant 0 : i32
    %dma_start3A_205 = tpu.memref_slice %arg6[%dma_start3A_201, %dma_start3A_203, %dma_start3A_204] : memref<3x127x144xf32, #tpu.memory_space<vmem>> -> memref<1x127x144xf32, #tpu.memory_space<vmem>>
    %dma_start3A_206 = tpu.memref_squeeze %dma_start3A_205 : memref<1x127x144xf32, #tpu.memory_space<vmem>> -> memref<127x144xf32, #tpu.memory_space<vmem>>
    %dma_start3A_207 = tpu.memref_slice %arg2[%select_n3A_128, %select_n3A_144, %reduce_max3A_156, %multiple_of3A_199] : memref<16x64x512x512xf32, #tpu.memory_space<hbm>> -> memref<1x1x127x144xf32, #tpu.memory_space<hbm>>
    %dma_start3A_208 = tpu.memref_squeeze %dma_start3A_207 : memref<1x1x127x144xf32, #tpu.memory_space<hbm>> -> memref<127x144xf32, #tpu.memory_space<hbm>>
    %dma_start3A_209 = tpu.memref_slice %arg8[%dma_start3A_202] : memref<3x!tpu.dma_semaphore, #tpu.memory_space<semaphore_mem>> -> memref<1x!tpu.dma_semaphore, #tpu.memory_space<semaphore_mem>>
    %dma_start3A_210 = tpu.memref_squeeze %dma_start3A_209 : memref<1x!tpu.dma_semaphore, #tpu.memory_space<semaphore_mem>> -> memref<!tpu.dma_semaphore, #tpu.memory_space<semaphore_mem>>
    %dma_start3A_211 = arith.constant 0 : i32
    %dma_start3A_212 = arith.constant 0 : i32
    %dma_start3A_213 = tpu.memref_slice %arg6[%dma_start3A_201, %dma_start3A_211, %dma_start3A_212] : memref<3x127x144xf32, #tpu.memory_space<vmem>> -> memref<1x127x144xf32, #tpu.memory_space<vmem>>
    %dma_start3A_214 = tpu.memref_squeeze %dma_start3A_213 : memref<1x127x144xf32, #tpu.memory_space<vmem>> -> memref<127x144xf32, #tpu.memory_space<vmem>>
    %dma_start3A_215 = tpu.memref_slice %arg2[%select_n3A_128, %select_n3A_144, %reduce_max3A_156, %multiple_of3A_199] : memref<16x64x512x512xf32, #tpu.memory_space<hbm>> -> memref<1x1x127x144xf32, #tpu.memory_space<hbm>>
    %dma_start3A_216 = tpu.memref_squeeze %dma_start3A_215 : memref<1x1x127x144xf32, #tpu.memory_space<hbm>> -> memref<127x144xf32, #tpu.memory_space<hbm>>
    tpu.enqueue_dma source(%dma_start3A_216 : memref<127x144xf32, #tpu.memory_space<hbm>>) target(%dma_start3A_214 : memref<127x144xf32, #tpu.memory_space<vmem>>) target_semaphore(%dma_start3A_210 : memref<!tpu.dma_semaphore, #tpu.memory_space<semaphore_mem>>)
    %mul3A_217 = arith.constant 32 : i32
    %mul3A_218 = arith.muli %add3A, %mul3A_217 : i32
    %add3A_219 = arith.constant 2 : i32
    %add3A_220 = arith.addi %mul3A_218, %add3A_219 : i32
    %jit3A_221 = arith.constant 64 : i32
    %div3A_222 = arith.divsi %add3A_220, %jit3A_221 : i32
    %sign3A_223 = arith.constant 0 : i32
    %sign3A_224 = arith.cmpi sgt, %add3A_220, %sign3A_223 : i32
    %sign3A_225 = arith.extui %sign3A_224 : i1 to i32
    %sign3A_226 = arith.constant 0 : i32
    %sign3A_227 = arith.cmpi slt, %add3A_220, %sign3A_226 : i32
    %sign3A_228 = arith.extui %sign3A_227 : i1 to i32
    %sign3A_229 = arith.subi %sign3A_225, %sign3A_228 : i32
    %sign3A_230 = arith.constant 0 : i32
    %sign3A_231 = arith.cmpi sgt, %jit3A_221, %sign3A_230 : i32
    %sign3A_232 = arith.extui %sign3A_231 : i1 to i32
    %sign3A_233 = arith.constant 0 : i32
    %sign3A_234 = arith.cmpi slt, %jit3A_221, %sign3A_233 : i32
    %sign3A_235 = arith.extui %sign3A_234 : i1 to i32
    %sign3A_236 = arith.subi %sign3A_232, %sign3A_235 : i32
    %ne3A_237 = arith.cmpi ne, %sign3A_229, %sign3A_236 : i32
    %rem3A_238 = arith.remsi %add3A_220, %jit3A_221 : i32
    %ne3A_239 = arith.constant 0 : i32
    %ne3A_240 = arith.cmpi ne, %rem3A_238, %ne3A_239 : i32
    %and3A_241 = arith.andi %ne3A_237, %ne3A_240 : i1
    %sub3A_242 = arith.constant 1 : i32
    %sub3A_243 = arith.subi %div3A_222, %sub3A_242 : i32
    %select_n3A_244 = arith.select %and3A_241, %sub3A_243, %div3A_222 : i32
    %jit3A_245 = arith.constant 64 : i32
    %eq3A_246 = arith.constant 0 : i32
    %eq3A_247 = arith.cmpi eq, %jit3A_245, %eq3A_246 : i32
    %jit3A_248 = arith.constant 1 : i32
    %select_n3A_249 = arith.select %eq3A_247, %jit3A_248, %jit3A_245 : i32
    %rem3A_250 = arith.remsi %add3A_220, %select_n3A_249 : i32
    %ne3A_251 = arith.constant 0 : i32
    %ne3A_252 = arith.cmpi ne, %rem3A_250, %ne3A_251 : i32
    %lt3A_253 = arith.constant 0 : i32
    %lt3A_254 = arith.cmpi slt, %rem3A_250, %lt3A_253 : i32
    %lt3A_255 = arith.constant 0 : i32
    %lt3A_256 = arith.cmpi slt, %select_n3A_249, %lt3A_255 : i32
    %ne3A_257 = arith.xori %lt3A_254, %lt3A_256 : i1
    %and3A_258 = arith.andi %ne3A_257, %ne3A_252 : i1
    %add3A_259 = arith.addi %rem3A_250, %select_n3A_249 : i32
    %select_n3A_260 = arith.select %and3A_258, %add3A_259, %rem3A_250 : i32
    %mul3A_261 = arith.constant 2 : i32
    %mul3A_262 = arith.muli %mul3A_261, %select_n3A_244 : i32
    %broadcast_in_dim3A_263 = vector.broadcast %mul3A_262 : i32 to vector<16xi32>
    %gather3A_264 = tpu.vector_load_idx %arg5[%broadcast_in_dim3A_263] : memref<32xi32, #tpu.memory_space<vmem>>[vector<16xi32>], vector<16xi32>,
    %reduce_max3A_265 = arith.constant true
    %reduce_max3A_266 = vector.broadcast %reduce_max3A_265 : i1 to vector<16xi1>
    %reduce_max3A_267 = arith.constant -2147483648 : i32
    %reduce_max3A_268 = vector.broadcast %reduce_max3A_267 : i32 to vector<16xi32>
    %reduce_max3A_269 = arith.xori %gather3A_264, %reduce_max3A_268 : vector<16xi32>
    %reduce_max3A_270 = tpu.scan <max>, %reduce_max3A_269 masked %reduce_max3A_266 : vector<16xi32>, vector<16xi1> -> vector<16xi32>
    %reduce_max3A_271 = arith.xori %reduce_max3A_270, %reduce_max3A_268 : vector<16xi32>
    %reduce_max3A_272 = vector.extract %reduce_max3A_271[15] : i32 from vector<16xi32>
    %mul3A_273 = arith.constant 2 : i32
    %mul3A_274 = arith.muli %mul3A_273, %select_n3A_244 : i32
    %add3A_275 = arith.constant 1 : i32
    %add3A_276 = arith.addi %mul3A_274, %add3A_275 : i32
    %broadcast_in_dim3A_277 = vector.broadcast %add3A_276 : i32 to vector<16xi32>
    %gather3A_278 = tpu.vector_load_idx %arg5[%broadcast_in_dim3A_277] : memref<32xi32, #tpu.memory_space<vmem>>[vector<16xi32>], vector<16xi32>,
    %reduce_max3A_279 = arith.constant true
    %reduce_max3A_280 = vector.broadcast %reduce_max3A_279 : i1 to vector<16xi1>
    %reduce_max3A_281 = arith.constant -2147483648 : i32
    %reduce_max3A_282 = vector.broadcast %reduce_max3A_281 : i32 to vector<16xi32>
    %reduce_max3A_283 = arith.xori %gather3A_278, %reduce_max3A_282 : vector<16xi32>
    %reduce_max3A_284 = tpu.scan <max>, %reduce_max3A_283 masked %reduce_max3A_280 : vector<16xi32>, vector<16xi1> -> vector<16xi32>
    %reduce_max3A_285 = arith.xori %reduce_max3A_284, %reduce_max3A_282 : vector<16xi32>
    %reduce_max3A_286 = vector.extract %reduce_max3A_285[15] : i32 from vector<16xi32>
    %jit3A_287 = arith.constant 16 : i32
    %div3A_288 = arith.divsi %reduce_max3A_286, %jit3A_287 : i32
    %sign3A_289 = arith.constant 0 : i32
    %sign3A_290 = arith.cmpi sgt, %reduce_max3A_286, %sign3A_289 : i32
    %sign3A_291 = arith.extui %sign3A_290 : i1 to i32
    %sign3A_292 = arith.constant 0 : i32
    %sign3A_293 = arith.cmpi slt, %reduce_max3A_286, %sign3A_292 : i32
    %sign3A_294 = arith.extui %sign3A_293 : i1 to i32
    %sign3A_295 = arith.subi %sign3A_291, %sign3A_294 : i32
    %sign3A_296 = arith.constant 0 : i32
    %sign3A_297 = arith.cmpi sgt, %jit3A_287, %sign3A_296 : i32
    %sign3A_298 = arith.extui %sign3A_297 : i1 to i32
    %sign3A_299 = arith.constant 0 : i32
    %sign3A_300 = arith.cmpi slt, %jit3A_287, %sign3A_299 : i32
    %sign3A_301 = arith.extui %sign3A_300 : i1 to i32
    %sign3A_302 = arith.subi %sign3A_298, %sign3A_301 : i32
    %ne3A_303 = arith.cmpi ne, %sign3A_295, %sign3A_302 : i32
    %rem3A_304 = arith.remsi %reduce_max3A_286, %jit3A_287 : i32
    %ne3A_305 = arith.constant 0 : i32
    %ne3A_306 = arith.cmpi ne, %rem3A_304, %ne3A_305 : i32
    %and3A_307 = arith.andi %ne3A_303, %ne3A_306 : i1
    %sub3A_308 = arith.constant 1 : i32
    %sub3A_309 = arith.subi %div3A_288, %sub3A_308 : i32
    %select_n3A_310 = arith.select %and3A_307, %sub3A_309, %div3A_288 : i32
    %mul3A_311 = arith.constant 16 : i32
    %mul3A_312 = arith.muli %select_n3A_310, %mul3A_311 : i32
    %min3A_313 = arith.constant 368 : i32
    %min3A_314 = arith.minsi %mul3A_312, %min3A_313 : i32
    %multiple_of3A_315 = tpu.assume_multiple %min3A_314, 16 : i32
    %sub3A_316 = arith.subi %reduce_max3A_286, %multiple_of3A_315 : i32
    %dma_start3A_317 = arith.constant 2 : i32
    %dma_start3A_318 = arith.constant 2 : i32
    %dma_start3A_319 = arith.constant 0 : i32
    %dma_start3A_320 = arith.constant 0 : i32
    %dma_start3A_321 = tpu.memref_slice %arg6[%dma_start3A_317, %dma_start3A_319, %dma_start3A_320] : memref<3x127x144xf32, #tpu.memory_space<vmem>> -> memref<1x127x144xf32, #tpu.memory_space<vmem>>
    %dma_start3A_322 = tpu.memref_squeeze %dma_start3A_321 : memref<1x127x144xf32, #tpu.memory_space<vmem>> -> memref<127x144xf32, #tpu.memory_space<vmem>>
    %dma_start3A_323 = tpu.memref_slice %arg2[%select_n3A_244, %select_n3A_260, %reduce_max3A_272, %multiple_of3A_315] : memref<16x64x512x512xf32, #tpu.memory_space<hbm>> -> memref<1x1x127x144xf32, #tpu.memory_space<hbm>>
    %dma_start3A_324 = tpu.memref_squeeze %dma_start3A_323 : memref<1x1x127x144xf32, #tpu.memory_space<hbm>> -> memref<127x144xf32, #tpu.memory_space<hbm>>
    %dma_start3A_325 = tpu.memref_slice %arg8[%dma_start3A_318] : memref<3x!tpu.dma_semaphore, #tpu.memory_space<semaphore_mem>> -> memref<1x!tpu.dma_semaphore, #tpu.memory_space<semaphore_mem>>
    %dma_start3A_326 = tpu.memref_squeeze %dma_start3A_325 : memref<1x!tpu.dma_semaphore, #tpu.memory_space<semaphore_mem>> -> memref<!tpu.dma_semaphore, #tpu.memory_space<semaphore_mem>>
    %dma_start3A_327 = arith.constant 0 : i32
    %dma_start3A_328 = arith.constant 0 : i32
    %dma_start3A_329 = tpu.memref_slice %arg6[%dma_start3A_317, %dma_start3A_327, %dma_start3A_328] : memref<3x127x144xf32, #tpu.memory_space<vmem>> -> memref<1x127x144xf32, #tpu.memory_space<vmem>>
    %dma_start3A_330 = tpu.memref_squeeze %dma_start3A_329 : memref<1x127x144xf32, #tpu.memory_space<vmem>> -> memref<127x144xf32, #tpu.memory_space<vmem>>
    %dma_start3A_331 = tpu.memref_slice %arg2[%select_n3A_244, %select_n3A_260, %reduce_max3A_272, %multiple_of3A_315] : memref<16x64x512x512xf32, #tpu.memory_space<hbm>> -> memref<1x1x127x144xf32, #tpu.memory_space<hbm>>
    %dma_start3A_332 = tpu.memref_squeeze %dma_start3A_331 : memref<1x1x127x144xf32, #tpu.memory_space<hbm>> -> memref<127x144xf32, #tpu.memory_space<hbm>>
    tpu.enqueue_dma source(%dma_start3A_332 : memref<127x144xf32, #tpu.memory_space<hbm>>) target(%dma_start3A_330 : memref<127x144xf32, #tpu.memory_space<vmem>>) target_semaphore(%dma_start3A_326 : memref<!tpu.dma_semaphore, #tpu.memory_space<semaphore_mem>>)
    %scan3A = arith.constant 0 : i32
    %scan3A_333 = arith.constant 0 : i32
    %scan3A_334 = arith.constant 32 : i32
    %scan3A_335 = arith.addi %scan3A_333, %scan3A_334 : i32
    %scan3A_336 = arith.constant 1 : i32
    scf.for %scan3A_403 = %scan3A_333 to %scan3A_335 step %scan3A_336  : i32 {
      %rem3A_404 = arith.constant 3 : i32
      %rem3A_405 = arith.remsi %scan3A_403, %rem3A_404 : i32
      %dma_wait3A_406 = arith.constant 0 : i32
      %dma_wait3A_407 = arith.constant 0 : i32
      %dma_wait3A_408 = arith.constant 0 : i32
      %dma_wait3A_409 = arith.constant 0 : i32
      %dma_wait3A_410 = tpu.memref_slice %arg6[%rem3A_405, %dma_wait3A_408, %dma_wait3A_409] : memref<3x127x144xf32, #tpu.memory_space<vmem>> -> memref<1x127x144xf32, #tpu.memory_space<vmem>>
      %dma_wait3A_411 = tpu.memref_squeeze %dma_wait3A_410 : memref<1x127x144xf32, #tpu.memory_space<vmem>> -> memref<127x144xf32, #tpu.memory_space<vmem>>
      %dma_wait3A_412 = arith.constant 0 : i32
      %dma_wait3A_413 = arith.constant 0 : i32
      %dma_wait3A_414 = tpu.memref_slice %arg2[%dma_wait3A_406, %dma_wait3A_407, %dma_wait3A_412, %dma_wait3A_413] : memref<16x64x512x512xf32, #tpu.memory_space<hbm>> -> memref<1x1x127x144xf32, #tpu.memory_space<hbm>>
      %dma_wait3A_415 = tpu.memref_squeeze %dma_wait3A_414 : memref<1x1x127x144xf32, #tpu.memory_space<hbm>> -> memref<127x144xf32, #tpu.memory_space<hbm>>
      %dma_wait3A_416 = tpu.memref_slice %arg8[%rem3A_405] : memref<3x!tpu.dma_semaphore, #tpu.memory_space<semaphore_mem>> -> memref<1x!tpu.dma_semaphore, #tpu.memory_space<semaphore_mem>>
      %dma_wait3A_417 = tpu.memref_squeeze %dma_wait3A_416 : memref<1x!tpu.dma_semaphore, #tpu.memory_space<semaphore_mem>> -> memref<!tpu.dma_semaphore, #tpu.memory_space<semaphore_mem>>
      %dma_wait3A_418 = arith.constant 0 : i32
      %dma_wait3A_419 = arith.constant 0 : i32
      %dma_wait3A_420 = tpu.memref_slice %arg6[%rem3A_405, %dma_wait3A_418, %dma_wait3A_419] : memref<3x127x144xf32, #tpu.memory_space<vmem>> -> memref<1x127x144xf32, #tpu.memory_space<vmem>>
      %dma_wait3A_421 = tpu.memref_squeeze %dma_wait3A_420 : memref<1x127x144xf32, #tpu.memory_space<vmem>> -> memref<127x144xf32, #tpu.memory_space<vmem>>
      %dma_wait3A_422 = arith.constant 0 : i32
      %dma_wait3A_423 = arith.constant 0 : i32
      %dma_wait3A_424 = tpu.memref_slice %arg2[%dma_wait3A_406, %dma_wait3A_407, %dma_wait3A_422, %dma_wait3A_423] : memref<16x64x512x512xf32, #tpu.memory_space<hbm>> -> memref<1x1x127x144xf32, #tpu.memory_space<hbm>>
      %dma_wait3A_425 = tpu.memref_squeeze %dma_wait3A_424 : memref<1x1x127x144xf32, #tpu.memory_space<hbm>> -> memref<127x144xf32, #tpu.memory_space<hbm>>
      tpu.wait_dma2 semaphore(%dma_wait3A_417 : memref<!tpu.dma_semaphore, #tpu.memory_space<semaphore_mem>>) src(%dma_wait3A_425 : memref<127x144xf32, #tpu.memory_space<hbm>>) dst(%dma_wait3A_421 : memref<127x144xf32, #tpu.memory_space<vmem>>)
      %ge3A = arith.constant 3 : i32
      %ge3A_426 = arith.cmpi sge, %scan3A_403, %ge3A : i32
      %convert_element_type3A = arith.extui %ge3A_426 : i1 to i32
      %cond3A = arith.constant 0 : i32
      %cond3A_427 = arith.cmpi ne, %convert_element_type3A, %cond3A : i32
      scf.if %cond3A_427 {
        %dma_wait3A_597 = arith.constant 0 : i32
        %dma_wait3A_598 = arith.constant 0 : i32
        %dma_wait3A_599 = arith.constant 0 : i32
        %dma_wait3A_600 = arith.constant 0 : i32
        %dma_wait3A_601 = tpu.memref_slice %arg7[%rem3A_405, %dma_wait3A_599, %dma_wait3A_600] : memref<3x127x127xf32, #tpu.memory_space<vmem>> -> memref<1x127x127xf32, #tpu.memory_space<vmem>>
        %dma_wait3A_602 = tpu.memref_squeeze %dma_wait3A_601 : memref<1x127x127xf32, #tpu.memory_space<vmem>> -> memref<127x127xf32, #tpu.memory_space<vmem>>
        %dma_wait3A_603 = arith.constant 0 : i32
        %dma_wait3A_604 = arith.constant 0 : i32
        %dma_wait3A_605 = tpu.memref_slice %arg4[%dma_wait3A_597, %dma_wait3A_598, %dma_wait3A_603, %dma_wait3A_604] : memref<16x64x127x127xf32, #tpu.memory_space<hbm>> -> memref<1x1x127x127xf32, #tpu.memory_space<hbm>>
        %dma_wait3A_606 = tpu.memref_squeeze %dma_wait3A_605 : memref<1x1x127x127xf32, #tpu.memory_space<hbm>> -> memref<127x127xf32, #tpu.memory_space<hbm>>
        %dma_wait3A_607 = tpu.memref_slice %arg9[%rem3A_405] : memref<3x!tpu.dma_semaphore, #tpu.memory_space<semaphore_mem>> -> memref<1x!tpu.dma_semaphore, #tpu.memory_space<semaphore_mem>>
        %dma_wait3A_608 = tpu.memref_squeeze %dma_wait3A_607 : memref<1x!tpu.dma_semaphore, #tpu.memory_space<semaphore_mem>> -> memref<!tpu.dma_semaphore, #tpu.memory_space<semaphore_mem>>
        %dma_wait3A_609 = arith.constant 0 : i32
        %dma_wait3A_610 = arith.constant 0 : i32
        %dma_wait3A_611 = tpu.memref_slice %arg4[%dma_wait3A_597, %dma_wait3A_598, %dma_wait3A_609, %dma_wait3A_610] : memref<16x64x127x127xf32, #tpu.memory_space<hbm>> -> memref<1x1x127x127xf32, #tpu.memory_space<hbm>>
        %dma_wait3A_612 = tpu.memref_squeeze %dma_wait3A_611 : memref<1x1x127x127xf32, #tpu.memory_space<hbm>> -> memref<127x127xf32, #tpu.memory_space<hbm>>
        %dma_wait3A_613 = arith.constant 0 : i32
        %dma_wait3A_614 = arith.constant 0 : i32
        %dma_wait3A_615 = tpu.memref_slice %arg7[%rem3A_405, %dma_wait3A_613, %dma_wait3A_614] : memref<3x127x127xf32, #tpu.memory_space<vmem>> -> memref<1x127x127xf32, #tpu.memory_space<vmem>>
        %dma_wait3A_616 = tpu.memref_squeeze %dma_wait3A_615 : memref<1x127x127xf32, #tpu.memory_space<vmem>> -> memref<127x127xf32, #tpu.memory_space<vmem>>
        tpu.wait_dma2 semaphore(%dma_wait3A_608 : memref<!tpu.dma_semaphore, #tpu.memory_space<semaphore_mem>>) src(%dma_wait3A_616 : memref<127x127xf32, #tpu.memory_space<vmem>>) dst(%dma_wait3A_612 : memref<127x127xf32, #tpu.memory_space<hbm>>)
      } else {
      }
      %mul3A_428 = arith.constant 32 : i32
      %mul3A_429 = arith.muli %add3A, %mul3A_428 : i32
      %add3A_430 = arith.addi %mul3A_429, %scan3A_403 : i32
      %jit3A_431 = arith.constant 64 : i32
      %div3A_432 = arith.divsi %add3A_430, %jit3A_431 : i32
      %sign3A_433 = arith.constant 0 : i32
      %sign3A_434 = arith.cmpi sgt, %add3A_430, %sign3A_433 : i32
      %sign3A_435 = arith.extui %sign3A_434 : i1 to i32
      %sign3A_436 = arith.constant 0 : i32
      %sign3A_437 = arith.cmpi slt, %add3A_430, %sign3A_436 : i32
      %sign3A_438 = arith.extui %sign3A_437 : i1 to i32
      %sign3A_439 = arith.subi %sign3A_435, %sign3A_438 : i32
      %sign3A_440 = arith.constant 0 : i32
      %sign3A_441 = arith.cmpi sgt, %jit3A_431, %sign3A_440 : i32
      %sign3A_442 = arith.extui %sign3A_441 : i1 to i32
      %sign3A_443 = arith.constant 0 : i32
      %sign3A_444 = arith.cmpi slt, %jit3A_431, %sign3A_443 : i32
      %sign3A_445 = arith.extui %sign3A_444 : i1 to i32
      %sign3A_446 = arith.subi %sign3A_442, %sign3A_445 : i32
      %ne3A_447 = arith.cmpi ne, %sign3A_439, %sign3A_446 : i32
      %rem3A_448 = arith.remsi %add3A_430, %jit3A_431 : i32
      %ne3A_449 = arith.constant 0 : i32
      %ne3A_450 = arith.cmpi ne, %rem3A_448, %ne3A_449 : i32
      %and3A_451 = arith.andi %ne3A_447, %ne3A_450 : i1
      %sub3A_452 = arith.constant 1 : i32
      %sub3A_453 = arith.subi %div3A_432, %sub3A_452 : i32
      %select_n3A_454 = arith.select %and3A_451, %sub3A_453, %div3A_432 : i32
      %jit3A_455 = arith.constant 64 : i32
      %eq3A_456 = arith.constant 0 : i32
      %eq3A_457 = arith.cmpi eq, %jit3A_455, %eq3A_456 : i32
      %jit3A_458 = arith.constant 1 : i32
      %select_n3A_459 = arith.select %eq3A_457, %jit3A_458, %jit3A_455 : i32
      %rem3A_460 = arith.remsi %add3A_430, %select_n3A_459 : i32
      %ne3A_461 = arith.constant 0 : i32
      %ne3A_462 = arith.cmpi ne, %rem3A_460, %ne3A_461 : i32
      %lt3A_463 = arith.constant 0 : i32
      %lt3A_464 = arith.cmpi slt, %rem3A_460, %lt3A_463 : i32
      %lt3A_465 = arith.constant 0 : i32
      %lt3A_466 = arith.cmpi slt, %select_n3A_459, %lt3A_465 : i32
      %ne3A_467 = arith.xori %lt3A_464, %lt3A_466 : i1
      %and3A_468 = arith.andi %ne3A_467, %ne3A_462 : i1
      %add3A_469 = arith.addi %rem3A_460, %select_n3A_459 : i32
      %select_n3A_470 = arith.select %and3A_468, %add3A_469, %rem3A_460 : i32
      %mul3A_471 = arith.constant 2 : i32
      %mul3A_472 = arith.muli %mul3A_471, %select_n3A_454 : i32
      %broadcast_in_dim3A_473 = vector.broadcast %mul3A_472 : i32 to vector<16xi32>
      %gather3A_474 = tpu.vector_load_idx %arg5[%broadcast_in_dim3A_473] : memref<32xi32, #tpu.memory_space<vmem>>[vector<16xi32>], vector<16xi32>,
      %reduce_max3A_475 = arith.constant true
      %reduce_max3A_476 = vector.broadcast %reduce_max3A_475 : i1 to vector<16xi1>
      %reduce_max3A_477 = arith.constant -2147483648 : i32
      %reduce_max3A_478 = vector.broadcast %reduce_max3A_477 : i32 to vector<16xi32>
      %reduce_max3A_479 = arith.xori %gather3A_474, %reduce_max3A_478 : vector<16xi32>
      %reduce_max3A_480 = tpu.scan <max>, %reduce_max3A_479 masked %reduce_max3A_476 : vector<16xi32>, vector<16xi1> -> vector<16xi32>
      %reduce_max3A_481 = arith.xori %reduce_max3A_480, %reduce_max3A_478 : vector<16xi32>
      %reduce_max3A_482 = vector.extract %reduce_max3A_481[15] : i32 from vector<16xi32>
      %mul3A_483 = arith.constant 2 : i32
      %mul3A_484 = arith.muli %mul3A_483, %select_n3A_454 : i32
      %add3A_485 = arith.constant 1 : i32
      %add3A_486 = arith.addi %mul3A_484, %add3A_485 : i32
      %broadcast_in_dim3A_487 = vector.broadcast %add3A_486 : i32 to vector<16xi32>
      %gather3A_488 = tpu.vector_load_idx %arg5[%broadcast_in_dim3A_487] : memref<32xi32, #tpu.memory_space<vmem>>[vector<16xi32>], vector<16xi32>,
      %reduce_max3A_489 = arith.constant true
      %reduce_max3A_490 = vector.broadcast %reduce_max3A_489 : i1 to vector<16xi1>
      %reduce_max3A_491 = arith.constant -2147483648 : i32
      %reduce_max3A_492 = vector.broadcast %reduce_max3A_491 : i32 to vector<16xi32>
      %reduce_max3A_493 = arith.xori %gather3A_488, %reduce_max3A_492 : vector<16xi32>
      %reduce_max3A_494 = tpu.scan <max>, %reduce_max3A_493 masked %reduce_max3A_490 : vector<16xi32>, vector<16xi1> -> vector<16xi32>
      %reduce_max3A_495 = arith.xori %reduce_max3A_494, %reduce_max3A_492 : vector<16xi32>
      %reduce_max3A_496 = vector.extract %reduce_max3A_495[15] : i32 from vector<16xi32>
      %jit3A_497 = arith.constant 16 : i32
      %div3A_498 = arith.divsi %reduce_max3A_496, %jit3A_497 : i32
      %sign3A_499 = arith.constant 0 : i32
      %sign3A_500 = arith.cmpi sgt, %reduce_max3A_496, %sign3A_499 : i32
      %sign3A_501 = arith.extui %sign3A_500 : i1 to i32
      %sign3A_502 = arith.constant 0 : i32
      %sign3A_503 = arith.cmpi slt, %reduce_max3A_496, %sign3A_502 : i32
      %sign3A_504 = arith.extui %sign3A_503 : i1 to i32
      %sign3A_505 = arith.subi %sign3A_501, %sign3A_504 : i32
      %sign3A_506 = arith.constant 0 : i32
      %sign3A_507 = arith.cmpi sgt, %jit3A_497, %sign3A_506 : i32
      %sign3A_508 = arith.extui %sign3A_507 : i1 to i32
      %sign3A_509 = arith.constant 0 : i32
      %sign3A_510 = arith.cmpi slt, %jit3A_497, %sign3A_509 : i32
      %sign3A_511 = arith.extui %sign3A_510 : i1 to i32
      %sign3A_512 = arith.subi %sign3A_508, %sign3A_511 : i32
      %ne3A_513 = arith.cmpi ne, %sign3A_505, %sign3A_512 : i32
      %rem3A_514 = arith.remsi %reduce_max3A_496, %jit3A_497 : i32
      %ne3A_515 = arith.constant 0 : i32
      %ne3A_516 = arith.cmpi ne, %rem3A_514, %ne3A_515 : i32
      %and3A_517 = arith.andi %ne3A_513, %ne3A_516 : i1
      %sub3A_518 = arith.constant 1 : i32
      %sub3A_519 = arith.subi %div3A_498, %sub3A_518 : i32
      %select_n3A_520 = arith.select %and3A_517, %sub3A_519, %div3A_498 : i32
      %mul3A_521 = arith.constant 16 : i32
      %mul3A_522 = arith.muli %select_n3A_520, %mul3A_521 : i32
      %min3A_523 = arith.constant 368 : i32
      %min3A_524 = arith.minsi %mul3A_522, %min3A_523 : i32
      %multiple_of3A_525 = tpu.assume_multiple %min3A_524, 16 : i32
      %sub3A_526 = arith.subi %reduce_max3A_496, %multiple_of3A_525 : i32
      %parallel_loop3A = arith.constant 0 : i32
      %parallel_loop3A_527 = arith.constant 127 : i32
      %parallel_loop3A_528 = arith.constant 1 : i32
      scf.for %parallel_loop3A_597 = %parallel_loop3A to %parallel_loop3A_527 step %parallel_loop3A_528  : i32 {
        %parallel_loop3A_598 = arith.constant 0 : i32
        %parallel_loop3A_599 = arith.addi %sub3A_526, %parallel_loop3A_598 : i32
        %parallel_loop3A_600 = arith.index_cast %rem3A_405 : i32 to index
        %parallel_loop3A_601 = arith.index_cast %parallel_loop3A_597 : i32 to index
        %parallel_loop3A_602 = arith.index_cast %parallel_loop3A_599 : i32 to index
        %parallel_loop3A_603 = tpu.vector_load %arg6[%parallel_loop3A_600, %parallel_loop3A_601, %parallel_loop3A_602] {strides = array<i32>} : memref<3x127x144xf32, #tpu.memory_space<vmem>>, vector<16xf32>,
        %parallel_loop3A_604 = arith.constant 16 : i32
        %parallel_loop3A_605 = arith.addi %sub3A_526, %parallel_loop3A_604 : i32
        %parallel_loop3A_606 = arith.index_cast %rem3A_405 : i32 to index
        %parallel_loop3A_607 = arith.index_cast %parallel_loop3A_597 : i32 to index
        %parallel_loop3A_608 = arith.index_cast %parallel_loop3A_605 : i32 to index
        %parallel_loop3A_609 = tpu.vector_load %arg6[%parallel_loop3A_606, %parallel_loop3A_607, %parallel_loop3A_608] {strides = array<i32>} : memref<3x127x144xf32, #tpu.memory_space<vmem>>, vector<16xf32>,
        %parallel_loop3A_610 = arith.constant 32 : i32
        %parallel_loop3A_611 = arith.addi %sub3A_526, %parallel_loop3A_610 : i32
        %parallel_loop3A_612 = arith.index_cast %rem3A_405 : i32 to index
        %parallel_loop3A_613 = arith.index_cast %parallel_loop3A_597 : i32 to index
        %parallel_loop3A_614 = arith.index_cast %parallel_loop3A_611 : i32 to index
        %parallel_loop3A_615 = tpu.vector_load %arg6[%parallel_loop3A_612, %parallel_loop3A_613, %parallel_loop3A_614] {strides = array<i32>} : memref<3x127x144xf32, #tpu.memory_space<vmem>>, vector<16xf32>,
        %parallel_loop3A_616 = arith.constant 48 : i32
        %parallel_loop3A_617 = arith.addi %sub3A_526, %parallel_loop3A_616 : i32
        %parallel_loop3A_618 = arith.index_cast %rem3A_405 : i32 to index
        %parallel_loop3A_619 = arith.index_cast %parallel_loop3A_597 : i32 to index
        %parallel_loop3A_620 = arith.index_cast %parallel_loop3A_617 : i32 to index
        %parallel_loop3A_621 = tpu.vector_load %arg6[%parallel_loop3A_618, %parallel_loop3A_619, %parallel_loop3A_620] {strides = array<i32>} : memref<3x127x144xf32, #tpu.memory_space<vmem>>, vector<16xf32>,
        %parallel_loop3A_622 = arith.constant 64 : i32
        %parallel_loop3A_623 = arith.addi %sub3A_526, %parallel_loop3A_622 : i32
        %parallel_loop3A_624 = arith.index_cast %rem3A_405 : i32 to index
        %parallel_loop3A_625 = arith.index_cast %parallel_loop3A_597 : i32 to index
        %parallel_loop3A_626 = arith.index_cast %parallel_loop3A_623 : i32 to index
        %parallel_loop3A_627 = tpu.vector_load %arg6[%parallel_loop3A_624, %parallel_loop3A_625, %parallel_loop3A_626] {strides = array<i32>} : memref<3x127x144xf32, #tpu.memory_space<vmem>>, vector<16xf32>,
        %parallel_loop3A_628 = arith.constant 80 : i32
        %parallel_loop3A_629 = arith.addi %sub3A_526, %parallel_loop3A_628 : i32
        %parallel_loop3A_630 = arith.index_cast %rem3A_405 : i32 to index
        %parallel_loop3A_631 = arith.index_cast %parallel_loop3A_597 : i32 to index
        %parallel_loop3A_632 = arith.index_cast %parallel_loop3A_629 : i32 to index
        %parallel_loop3A_633 = tpu.vector_load %arg6[%parallel_loop3A_630, %parallel_loop3A_631, %parallel_loop3A_632] {strides = array<i32>} : memref<3x127x144xf32, #tpu.memory_space<vmem>>, vector<16xf32>,
        %parallel_loop3A_634 = arith.constant 96 : i32
        %parallel_loop3A_635 = arith.addi %sub3A_526, %parallel_loop3A_634 : i32
        %parallel_loop3A_636 = arith.index_cast %rem3A_405 : i32 to index
        %parallel_loop3A_637 = arith.index_cast %parallel_loop3A_597 : i32 to index
        %parallel_loop3A_638 = arith.index_cast %parallel_loop3A_635 : i32 to index
        %parallel_loop3A_639 = tpu.vector_load %arg6[%parallel_loop3A_636, %parallel_loop3A_637, %parallel_loop3A_638] {strides = array<i32>} : memref<3x127x144xf32, #tpu.memory_space<vmem>>, vector<16xf32>,
        %parallel_loop3A_640 = arith.constant 111 : i32
        %parallel_loop3A_641 = arith.addi %sub3A_526, %parallel_loop3A_640 : i32
        %parallel_loop3A_642 = arith.index_cast %rem3A_405 : i32 to index
        %parallel_loop3A_643 = arith.index_cast %parallel_loop3A_597 : i32 to index
        %parallel_loop3A_644 = arith.index_cast %parallel_loop3A_641 : i32 to index
        %parallel_loop3A_645 = tpu.vector_load %arg6[%parallel_loop3A_642, %parallel_loop3A_643, %parallel_loop3A_644] {strides = array<i32>} : memref<3x127x144xf32, #tpu.memory_space<vmem>>, vector<16xf32>,
        %parallel_loop3A_646 = arith.index_cast %rem3A_405 : i32 to index
        %parallel_loop3A_647 = arith.index_cast %parallel_loop3A_597 : i32 to index
        %parallel_loop3A_648 = arith.constant 0 : index
        %parallel_loop3A_649 = tpu.vector_load %arg7[%parallel_loop3A_646, %parallel_loop3A_647, %parallel_loop3A_648] {strides = array<i32>} : memref<3x127x127xf32, #tpu.memory_space<vmem>>, vector<16xf32>,
        tpu.vector_store %arg7[%parallel_loop3A_646, %parallel_loop3A_647, %parallel_loop3A_648], %parallel_loop3A_603 {strides = array<i32>} : memref<3x127x127xf32, #tpu.memory_space<vmem>>, vector<16xf32>,
        %parallel_loop3A_650 = arith.index_cast %rem3A_405 : i32 to index
        %parallel_loop3A_651 = arith.index_cast %parallel_loop3A_597 : i32 to index
        %parallel_loop3A_652 = arith.constant 16 : index
        %parallel_loop3A_653 = tpu.vector_load %arg7[%parallel_loop3A_650, %parallel_loop3A_651, %parallel_loop3A_652] {strides = array<i32>} : memref<3x127x127xf32, #tpu.memory_space<vmem>>, vector<16xf32>,
        tpu.vector_store %arg7[%parallel_loop3A_650, %parallel_loop3A_651, %parallel_loop3A_652], %parallel_loop3A_609 {strides = array<i32>} : memref<3x127x127xf32, #tpu.memory_space<vmem>>, vector<16xf32>,
        %parallel_loop3A_654 = arith.index_cast %rem3A_405 : i32 to index
        %parallel_loop3A_655 = arith.index_cast %parallel_loop3A_597 : i32 to index
        %parallel_loop3A_656 = arith.constant 32 : index
        %parallel_loop3A_657 = tpu.vector_load %arg7[%parallel_loop3A_654, %parallel_loop3A_655, %parallel_loop3A_656] {strides = array<i32>} : memref<3x127x127xf32, #tpu.memory_space<vmem>>, vector<16xf32>,
        tpu.vector_store %arg7[%parallel_loop3A_654, %parallel_loop3A_655, %parallel_loop3A_656], %parallel_loop3A_615 {strides = array<i32>} : memref<3x127x127xf32, #tpu.memory_space<vmem>>, vector<16xf32>,
        %parallel_loop3A_658 = arith.index_cast %rem3A_405 : i32 to index
        %parallel_loop3A_659 = arith.index_cast %parallel_loop3A_597 : i32 to index
        %parallel_loop3A_660 = arith.constant 48 : index
        %parallel_loop3A_661 = tpu.vector_load %arg7[%parallel_loop3A_658, %parallel_loop3A_659, %parallel_loop3A_660] {strides = array<i32>} : memref<3x127x127xf32, #tpu.memory_space<vmem>>, vector<16xf32>,
        tpu.vector_store %arg7[%parallel_loop3A_658, %parallel_loop3A_659, %parallel_loop3A_660], %parallel_loop3A_621 {strides = array<i32>} : memref<3x127x127xf32, #tpu.memory_space<vmem>>, vector<16xf32>,
        %parallel_loop3A_662 = arith.index_cast %rem3A_405 : i32 to index
        %parallel_loop3A_663 = arith.index_cast %parallel_loop3A_597 : i32 to index
        %parallel_loop3A_664 = arith.constant 64 : index
        %parallel_loop3A_665 = tpu.vector_load %arg7[%parallel_loop3A_662, %parallel_loop3A_663, %parallel_loop3A_664] {strides = array<i32>} : memref<3x127x127xf32, #tpu.memory_space<vmem>>, vector<16xf32>,
        tpu.vector_store %arg7[%parallel_loop3A_662, %parallel_loop3A_663, %parallel_loop3A_664], %parallel_loop3A_627 {strides = array<i32>} : memref<3x127x127xf32, #tpu.memory_space<vmem>>, vector<16xf32>,
        %parallel_loop3A_666 = arith.index_cast %rem3A_405 : i32 to index
        %parallel_loop3A_667 = arith.index_cast %parallel_loop3A_597 : i32 to index
        %parallel_loop3A_668 = arith.constant 80 : index
        %parallel_loop3A_669 = tpu.vector_load %arg7[%parallel_loop3A_666, %parallel_loop3A_667, %parallel_loop3A_668] {strides = array<i32>} : memref<3x127x127xf32, #tpu.memory_space<vmem>>, vector<16xf32>,
        tpu.vector_store %arg7[%parallel_loop3A_666, %parallel_loop3A_667, %parallel_loop3A_668], %parallel_loop3A_633 {strides = array<i32>} : memref<3x127x127xf32, #tpu.memory_space<vmem>>, vector<16xf32>,
        %parallel_loop3A_670 = arith.index_cast %rem3A_405 : i32 to index
        %parallel_loop3A_671 = arith.index_cast %parallel_loop3A_597 : i32 to index
        %parallel_loop3A_672 = arith.constant 96 : index
        %parallel_loop3A_673 = tpu.vector_load %arg7[%parallel_loop3A_670, %parallel_loop3A_671, %parallel_loop3A_672] {strides = array<i32>} : memref<3x127x127xf32, #tpu.memory_space<vmem>>, vector<16xf32>,
        tpu.vector_store %arg7[%parallel_loop3A_670, %parallel_loop3A_671, %parallel_loop3A_672], %parallel_loop3A_639 {strides = array<i32>} : memref<3x127x127xf32, #tpu.memory_space<vmem>>, vector<16xf32>,
        %parallel_loop3A_674 = arith.index_cast %rem3A_405 : i32 to index
        %parallel_loop3A_675 = arith.index_cast %parallel_loop3A_597 : i32 to index
        %parallel_loop3A_676 = arith.constant 111 : index
        %parallel_loop3A_677 = tpu.vector_load %arg7[%parallel_loop3A_674, %parallel_loop3A_675, %parallel_loop3A_676] {strides = array<i32>} : memref<3x127x127xf32, #tpu.memory_space<vmem>>, vector<16xf32>,
        tpu.vector_store %arg7[%parallel_loop3A_674, %parallel_loop3A_675, %parallel_loop3A_676], %parallel_loop3A_645 {strides = array<i32>} : memref<3x127x127xf32, #tpu.memory_space<vmem>>, vector<16xf32>,
      } {sc.loop_unroll_factor = 4 : i64, sc.parallel_access}
      %mul3A_529 = arith.constant 32 : i32
      %mul3A_530 = arith.muli %add3A, %mul3A_529 : i32
      %add3A_531 = arith.addi %mul3A_530, %scan3A_403 : i32
      %jit3A_532 = arith.constant 64 : i32
      %div3A_533 = arith.divsi %add3A_531, %jit3A_532 : i32
      %sign3A_534 = arith.constant 0 : i32
      %sign3A_535 = arith.cmpi sgt, %add3A_531, %sign3A_534 : i32
      %sign3A_536 = arith.extui %sign3A_535 : i1 to i32
      %sign3A_537 = arith.constant 0 : i32
      %sign3A_538 = arith.cmpi slt, %add3A_531, %sign3A_537 : i32
      %sign3A_539 = arith.extui %sign3A_538 : i1 to i32
      %sign3A_540 = arith.subi %sign3A_536, %sign3A_539 : i32
      %sign3A_541 = arith.constant 0 : i32
      %sign3A_542 = arith.cmpi sgt, %jit3A_532, %sign3A_541 : i32
      %sign3A_543 = arith.extui %sign3A_542 : i1 to i32
      %sign3A_544 = arith.constant 0 : i32
      %sign3A_545 = arith.cmpi slt, %jit3A_532, %sign3A_544 : i32
      %sign3A_546 = arith.extui %sign3A_545 : i1 to i32
      %sign3A_547 = arith.subi %sign3A_543, %sign3A_546 : i32
      %ne3A_548 = arith.cmpi ne, %sign3A_540, %sign3A_547 : i32
      %rem3A_549 = arith.remsi %add3A_531, %jit3A_532 : i32
      %ne3A_550 = arith.constant 0 : i32
      %ne3A_551 = arith.cmpi ne, %rem3A_549, %ne3A_550 : i32
      %and3A_552 = arith.andi %ne3A_548, %ne3A_551 : i1
      %sub3A_553 = arith.constant 1 : i32
      %sub3A_554 = arith.subi %div3A_533, %sub3A_553 : i32
      %select_n3A_555 = arith.select %and3A_552, %sub3A_554, %div3A_533 : i32
      %jit3A_556 = arith.constant 64 : i32
      %eq3A_557 = arith.constant 0 : i32
      %eq3A_558 = arith.cmpi eq, %jit3A_556, %eq3A_557 : i32
      %jit3A_559 = arith.constant 1 : i32
      %select_n3A_560 = arith.select %eq3A_558, %jit3A_559, %jit3A_556 : i32
      %rem3A_561 = arith.remsi %add3A_531, %select_n3A_560 : i32
      %ne3A_562 = arith.constant 0 : i32
      %ne3A_563 = arith.cmpi ne, %rem3A_561, %ne3A_562 : i32
      %lt3A_564 = arith.constant 0 : i32
      %lt3A_565 = arith.cmpi slt, %rem3A_561, %lt3A_564 : i32
      %lt3A_566 = arith.constant 0 : i32
      %lt3A_567 = arith.cmpi slt, %select_n3A_560, %lt3A_566 : i32
      %ne3A_568 = arith.xori %lt3A_565, %lt3A_567 : i1
      %and3A_569 = arith.andi %ne3A_568, %ne3A_563 : i1
      %add3A_570 = arith.addi %rem3A_561, %select_n3A_560 : i32
      %select_n3A_571 = arith.select %and3A_569, %add3A_570, %rem3A_561 : i32
      %dma_start3A_572 = arith.constant 0 : i32
      %dma_start3A_573 = arith.constant 0 : i32
      %dma_start3A_574 = tpu.memref_slice %arg7[%rem3A_405, %dma_start3A_572, %dma_start3A_573] : memref<3x127x127xf32, #tpu.memory_space<vmem>> -> memref<1x127x127xf32, #tpu.memory_space<vmem>>
      %dma_start3A_575 = tpu.memref_squeeze %dma_start3A_574 : memref<1x127x127xf32, #tpu.memory_space<vmem>> -> memref<127x127xf32, #tpu.memory_space<vmem>>
      %dma_start3A_576 = arith.constant 0 : i32
      %dma_start3A_577 = arith.constant 0 : i32
      %dma_start3A_578 = tpu.memref_slice %arg4[%select_n3A_555, %select_n3A_571, %dma_start3A_576, %dma_start3A_577] : memref<16x64x127x127xf32, #tpu.memory_space<hbm>> -> memref<1x1x127x127xf32, #tpu.memory_space<hbm>>
      %dma_start3A_579 = tpu.memref_squeeze %dma_start3A_578 : memref<1x1x127x127xf32, #tpu.memory_space<hbm>> -> memref<127x127xf32, #tpu.memory_space<hbm>>
      %dma_start3A_580 = tpu.memref_slice %arg9[%rem3A_405] : memref<3x!tpu.dma_semaphore, #tpu.memory_space<semaphore_mem>> -> memref<1x!tpu.dma_semaphore, #tpu.memory_space<semaphore_mem>>
      %dma_start3A_581 = tpu.memref_squeeze %dma_start3A_580 : memref<1x!tpu.dma_semaphore, #tpu.memory_space<semaphore_mem>> -> memref<!tpu.dma_semaphore, #tpu.memory_space<semaphore_mem>>
      %dma_start3A_582 = arith.constant 0 : i32
      %dma_start3A_583 = arith.constant 0 : i32
      %dma_start3A_584 = tpu.memref_slice %arg4[%select_n3A_555, %select_n3A_571, %dma_start3A_582, %dma_start3A_583] : memref<16x64x127x127xf32, #tpu.memory_space<hbm>> -> memref<1x1x127x127xf32, #tpu.memory_space<hbm>>
      %dma_start3A_585 = tpu.memref_squeeze %dma_start3A_584 : memref<1x1x127x127xf32, #tpu.memory_space<hbm>> -> memref<127x127xf32, #tpu.memory_space<hbm>>
      %dma_start3A_586 = arith.constant 0 : i32
      %dma_start3A_587 = arith.constant 0 : i32
      %dma_start3A_588 = tpu.memref_slice %arg7[%rem3A_405, %dma_start3A_586, %dma_start3A_587] : memref<3x127x127xf32, #tpu.memory_space<vmem>> -> memref<1x127x127xf32, #tpu.memory_space<vmem>>
      %dma_start3A_589 = tpu.memref_squeeze %dma_start3A_588 : memref<1x127x127xf32, #tpu.memory_space<vmem>> -> memref<127x127xf32, #tpu.memory_space<vmem>>
      tpu.enqueue_dma source(%dma_start3A_589 : memref<127x127xf32, #tpu.memory_space<vmem>>) target(%dma_start3A_585 : memref<127x127xf32, #tpu.memory_space<hbm>>) target_semaphore(%dma_start3A_581 : memref<!tpu.dma_semaphore, #tpu.memory_space<semaphore_mem>>)
      %add3A_590 = arith.constant 3 : i32
      %add3A_591 = arith.addi %scan3A_403, %add3A_590 : i32
      %lt3A_592 = arith.constant 32 : i32
      %lt3A_593 = arith.cmpi slt, %add3A_591, %lt3A_592 : i32
      %convert_element_type3A_594 = arith.extui %lt3A_593 : i1 to i32
      %cond3A_595 = arith.constant 0 : i32
      %cond3A_596 = arith.cmpi ne, %convert_element_type3A_594, %cond3A_595 : i32
      scf.if %cond3A_596 {
        %add3A_597 = arith.constant 3 : i32
        %add3A_598 = arith.addi %scan3A_403, %add3A_597 : i32
        %mul3A_599 = arith.constant 32 : i32
        %mul3A_600 = arith.muli %add3A, %mul3A_599 : i32
        %add3A_601 = arith.addi %mul3A_600, %add3A_598 : i32
        %jit3A_602 = arith.constant 64 : i32
        %div3A_603 = arith.divsi %add3A_601, %jit3A_602 : i32
        %sign3A_604 = arith.constant 0 : i32
        %sign3A_605 = arith.cmpi sgt, %add3A_601, %sign3A_604 : i32
        %sign3A_606 = arith.extui %sign3A_605 : i1 to i32
        %sign3A_607 = arith.constant 0 : i32
        %sign3A_608 = arith.cmpi slt, %add3A_601, %sign3A_607 : i32
        %sign3A_609 = arith.extui %sign3A_608 : i1 to i32
        %sign3A_610 = arith.subi %sign3A_606, %sign3A_609 : i32
        %sign3A_611 = arith.constant 0 : i32
        %sign3A_612 = arith.cmpi sgt, %jit3A_602, %sign3A_611 : i32
        %sign3A_613 = arith.extui %sign3A_612 : i1 to i32
        %sign3A_614 = arith.constant 0 : i32
        %sign3A_615 = arith.cmpi slt, %jit3A_602, %sign3A_614 : i32
        %sign3A_616 = arith.extui %sign3A_615 : i1 to i32
        %sign3A_617 = arith.subi %sign3A_613, %sign3A_616 : i32
        %ne3A_618 = arith.cmpi ne, %sign3A_610, %sign3A_617 : i32
        %rem3A_619 = arith.remsi %add3A_601, %jit3A_602 : i32
        %ne3A_620 = arith.constant 0 : i32
        %ne3A_621 = arith.cmpi ne, %rem3A_619, %ne3A_620 : i32
        %and3A_622 = arith.andi %ne3A_618, %ne3A_621 : i1
        %sub3A_623 = arith.constant 1 : i32
        %sub3A_624 = arith.subi %div3A_603, %sub3A_623 : i32
        %select_n3A_625 = arith.select %and3A_622, %sub3A_624, %div3A_603 : i32
        %jit3A_626 = arith.constant 64 : i32
        %eq3A_627 = arith.constant 0 : i32
        %eq3A_628 = arith.cmpi eq, %jit3A_626, %eq3A_627 : i32
        %jit3A_629 = arith.constant 1 : i32
        %select_n3A_630 = arith.select %eq3A_628, %jit3A_629, %jit3A_626 : i32
        %rem3A_631 = arith.remsi %add3A_601, %select_n3A_630 : i32
        %ne3A_632 = arith.constant 0 : i32
        %ne3A_633 = arith.cmpi ne, %rem3A_631, %ne3A_632 : i32
        %lt3A_634 = arith.constant 0 : i32
        %lt3A_635 = arith.cmpi slt, %rem3A_631, %lt3A_634 : i32
        %lt3A_636 = arith.constant 0 : i32
        %lt3A_637 = arith.cmpi slt, %select_n3A_630, %lt3A_636 : i32
        %ne3A_638 = arith.xori %lt3A_635, %lt3A_637 : i1
        %and3A_639 = arith.andi %ne3A_638, %ne3A_633 : i1
        %add3A_640 = arith.addi %rem3A_631, %select_n3A_630 : i32
        %select_n3A_641 = arith.select %and3A_639, %add3A_640, %rem3A_631 : i32
        %mul3A_642 = arith.constant 2 : i32
        %mul3A_643 = arith.muli %mul3A_642, %select_n3A_625 : i32
        %broadcast_in_dim3A_644 = vector.broadcast %mul3A_643 : i32 to vector<16xi32>
        %gather3A_645 = tpu.vector_load_idx %arg5[%broadcast_in_dim3A_644] : memref<32xi32, #tpu.memory_space<vmem>>[vector<16xi32>], vector<16xi32>,
        %reduce_max3A_646 = arith.constant true
        %reduce_max3A_647 = vector.broadcast %reduce_max3A_646 : i1 to vector<16xi1>
        %reduce_max3A_648 = arith.constant -2147483648 : i32
        %reduce_max3A_649 = vector.broadcast %reduce_max3A_648 : i32 to vector<16xi32>
        %reduce_max3A_650 = arith.xori %gather3A_645, %reduce_max3A_649 : vector<16xi32>
        %reduce_max3A_651 = tpu.scan <max>, %reduce_max3A_650 masked %reduce_max3A_647 : vector<16xi32>, vector<16xi1> -> vector<16xi32>
        %reduce_max3A_652 = arith.xori %reduce_max3A_651, %reduce_max3A_649 : vector<16xi32>
        %reduce_max3A_653 = vector.extract %reduce_max3A_652[15] : i32 from vector<16xi32>
        %mul3A_654 = arith.constant 2 : i32
        %mul3A_655 = arith.muli %mul3A_654, %select_n3A_625 : i32
        %add3A_656 = arith.constant 1 : i32
        %add3A_657 = arith.addi %mul3A_655, %add3A_656 : i32
        %broadcast_in_dim3A_658 = vector.broadcast %add3A_657 : i32 to vector<16xi32>
        %gather3A_659 = tpu.vector_load_idx %arg5[%broadcast_in_dim3A_658] : memref<32xi32, #tpu.memory_space<vmem>>[vector<16xi32>], vector<16xi32>,
        %reduce_max3A_660 = arith.constant true
        %reduce_max3A_661 = vector.broadcast %reduce_max3A_660 : i1 to vector<16xi1>
        %reduce_max3A_662 = arith.constant -2147483648 : i32
        %reduce_max3A_663 = vector.broadcast %reduce_max3A_662 : i32 to vector<16xi32>
        %reduce_max3A_664 = arith.xori %gather3A_659, %reduce_max3A_663 : vector<16xi32>
        %reduce_max3A_665 = tpu.scan <max>, %reduce_max3A_664 masked %reduce_max3A_661 : vector<16xi32>, vector<16xi1> -> vector<16xi32>
        %reduce_max3A_666 = arith.xori %reduce_max3A_665, %reduce_max3A_663 : vector<16xi32>
        %reduce_max3A_667 = vector.extract %reduce_max3A_666[15] : i32 from vector<16xi32>
        %jit3A_668 = arith.constant 16 : i32
        %div3A_669 = arith.divsi %reduce_max3A_667, %jit3A_668 : i32
        %sign3A_670 = arith.constant 0 : i32
        %sign3A_671 = arith.cmpi sgt, %reduce_max3A_667, %sign3A_670 : i32
        %sign3A_672 = arith.extui %sign3A_671 : i1 to i32
        %sign3A_673 = arith.constant 0 : i32
        %sign3A_674 = arith.cmpi slt, %reduce_max3A_667, %sign3A_673 : i32
        %sign3A_675 = arith.extui %sign3A_674 : i1 to i32
        %sign3A_676 = arith.subi %sign3A_672, %sign3A_675 : i32
        %sign3A_677 = arith.constant 0 : i32
        %sign3A_678 = arith.cmpi sgt, %jit3A_668, %sign3A_677 : i32
        %sign3A_679 = arith.extui %sign3A_678 : i1 to i32
        %sign3A_680 = arith.constant 0 : i32
        %sign3A_681 = arith.cmpi slt, %jit3A_668, %sign3A_680 : i32
        %sign3A_682 = arith.extui %sign3A_681 : i1 to i32
        %sign3A_683 = arith.subi %sign3A_679, %sign3A_682 : i32
        %ne3A_684 = arith.cmpi ne, %sign3A_676, %sign3A_683 : i32
        %rem3A_685 = arith.remsi %reduce_max3A_667, %jit3A_668 : i32
        %ne3A_686 = arith.constant 0 : i32
        %ne3A_687 = arith.cmpi ne, %rem3A_685, %ne3A_686 : i32
        %and3A_688 = arith.andi %ne3A_684, %ne3A_687 : i1
        %sub3A_689 = arith.constant 1 : i32
        %sub3A_690 = arith.subi %div3A_669, %sub3A_689 : i32
        %select_n3A_691 = arith.select %and3A_688, %sub3A_690, %div3A_669 : i32
        %mul3A_692 = arith.constant 16 : i32
        %mul3A_693 = arith.muli %select_n3A_691, %mul3A_692 : i32
        %min3A_694 = arith.constant 368 : i32
        %min3A_695 = arith.minsi %mul3A_693, %min3A_694 : i32
        %multiple_of3A_696 = tpu.assume_multiple %min3A_695, 16 : i32
        %sub3A_697 = arith.subi %reduce_max3A_667, %multiple_of3A_696 : i32
        %dma_start3A_698 = arith.constant 0 : i32
        %dma_start3A_699 = arith.constant 0 : i32
        %dma_start3A_700 = tpu.memref_slice %arg6[%rem3A_405, %dma_start3A_698, %dma_start3A_699] : memref<3x127x144xf32, #tpu.memory_space<vmem>> -> memref<1x127x144xf32, #tpu.memory_space<vmem>>
        %dma_start3A_701 = tpu.memref_squeeze %dma_start3A_700 : memref<1x127x144xf32, #tpu.memory_space<vmem>> -> memref<127x144xf32, #tpu.memory_space<vmem>>
        %dma_start3A_702 = tpu.memref_slice %arg2[%select_n3A_625, %select_n3A_641, %reduce_max3A_653, %multiple_of3A_696] : memref<16x64x512x512xf32, #tpu.memory_space<hbm>> -> memref<1x1x127x144xf32, #tpu.memory_space<hbm>>
        %dma_start3A_703 = tpu.memref_squeeze %dma_start3A_702 : memref<1x1x127x144xf32, #tpu.memory_space<hbm>> -> memref<127x144xf32, #tpu.memory_space<hbm>>
        %dma_start3A_704 = tpu.memref_slice %arg8[%rem3A_405] : memref<3x!tpu.dma_semaphore, #tpu.memory_space<semaphore_mem>> -> memref<1x!tpu.dma_semaphore, #tpu.memory_space<semaphore_mem>>
        %dma_start3A_705 = tpu.memref_squeeze %dma_start3A_704 : memref<1x!tpu.dma_semaphore, #tpu.memory_space<semaphore_mem>> -> memref<!tpu.dma_semaphore, #tpu.memory_space<semaphore_mem>>
        %dma_start3A_706 = arith.constant 0 : i32
        %dma_start3A_707 = arith.constant 0 : i32
        %dma_start3A_708 = tpu.memref_slice %arg6[%rem3A_405, %dma_start3A_706, %dma_start3A_707] : memref<3x127x144xf32, #tpu.memory_space<vmem>> -> memref<1x127x144xf32, #tpu.memory_space<vmem>>
        %dma_start3A_709 = tpu.memref_squeeze %dma_start3A_708 : memref<1x127x144xf32, #tpu.memory_space<vmem>> -> memref<127x144xf32, #tpu.memory_space<vmem>>
        %dma_start3A_710 = tpu.memref_slice %arg2[%select_n3A_625, %select_n3A_641, %reduce_max3A_653, %multiple_of3A_696] : memref<16x64x512x512xf32, #tpu.memory_space<hbm>> -> memref<1x1x127x144xf32, #tpu.memory_space<hbm>>
        %dma_start3A_711 = tpu.memref_squeeze %dma_start3A_710 : memref<1x1x127x144xf32, #tpu.memory_space<hbm>> -> memref<127x144xf32, #tpu.memory_space<hbm>>
        tpu.enqueue_dma source(%dma_start3A_711 : memref<127x144xf32, #tpu.memory_space<hbm>>) target(%dma_start3A_709 : memref<127x144xf32, #tpu.memory_space<vmem>>) target_semaphore(%dma_start3A_705 : memref<!tpu.dma_semaphore, #tpu.memory_space<semaphore_mem>>)
      } else {
      }
    }
    %scan3A_337 = arith.constant 32 : i32
    %dma_wait3A = arith.constant 0 : i32
    %dma_wait3A_338 = arith.constant 0 : i32
    %dma_wait3A_339 = arith.constant 0 : i32
    %dma_wait3A_340 = arith.constant 0 : i32
    %dma_wait3A_341 = arith.constant 0 : i32
    %dma_wait3A_342 = arith.constant 0 : i32
    %dma_wait3A_343 = tpu.memref_slice %arg7[%dma_wait3A, %dma_wait3A_341, %dma_wait3A_342] : memref<3x127x127xf32, #tpu.memory_space<vmem>> -> memref<1x127x127xf32, #tpu.memory_space<vmem>>
    %dma_wait3A_344 = tpu.memref_squeeze %dma_wait3A_343 : memref<1x127x127xf32, #tpu.memory_space<vmem>> -> memref<127x127xf32, #tpu.memory_space<vmem>>
    %dma_wait3A_345 = arith.constant 0 : i32
    %dma_wait3A_346 = arith.constant 0 : i32
    %dma_wait3A_347 = tpu.memref_slice %arg4[%dma_wait3A_338, %dma_wait3A_339, %dma_wait3A_345, %dma_wait3A_346] : memref<16x64x127x127xf32, #tpu.memory_space<hbm>> -> memref<1x1x127x127xf32, #tpu.memory_space<hbm>>
    %dma_wait3A_348 = tpu.memref_squeeze %dma_wait3A_347 : memref<1x1x127x127xf32, #tpu.memory_space<hbm>> -> memref<127x127xf32, #tpu.memory_space<hbm>>
    %dma_wait3A_349 = tpu.memref_slice %arg9[%dma_wait3A_340] : memref<3x!tpu.dma_semaphore, #tpu.memory_space<semaphore_mem>> -> memref<1x!tpu.dma_semaphore, #tpu.memory_space<semaphore_mem>>
    %dma_wait3A_350 = tpu.memref_squeeze %dma_wait3A_349 : memref<1x!tpu.dma_semaphore, #tpu.memory_space<semaphore_mem>> -> memref<!tpu.dma_semaphore, #tpu.memory_space<semaphore_mem>>
    %dma_wait3A_351 = arith.constant 0 : i32
    %dma_wait3A_352 = arith.constant 0 : i32
    %dma_wait3A_353 = tpu.memref_slice %arg4[%dma_wait3A_338, %dma_wait3A_339, %dma_wait3A_351, %dma_wait3A_352] : memref<16x64x127x127xf32, #tpu.memory_space<hbm>> -> memref<1x1x127x127xf32, #tpu.memory_space<hbm>>
    %dma_wait3A_354 = tpu.memref_squeeze %dma_wait3A_353 : memref<1x1x127x127xf32, #tpu.memory_space<hbm>> -> memref<127x127xf32, #tpu.memory_space<hbm>>
    %dma_wait3A_355 = arith.constant 0 : i32
    %dma_wait3A_356 = arith.constant 0 : i32
    %dma_wait3A_357 = tpu.memref_slice %arg7[%dma_wait3A, %dma_wait3A_355, %dma_wait3A_356] : memref<3x127x127xf32, #tpu.memory_space<vmem>> -> memref<1x127x127xf32, #tpu.memory_space<vmem>>
    %dma_wait3A_358 = tpu.memref_squeeze %dma_wait3A_357 : memref<1x127x127xf32, #tpu.memory_space<vmem>> -> memref<127x127xf32, #tpu.memory_space<vmem>>
    tpu.wait_dma2 semaphore(%dma_wait3A_350 : memref<!tpu.dma_semaphore, #tpu.memory_space<semaphore_mem>>) src(%dma_wait3A_358 : memref<127x127xf32, #tpu.memory_space<vmem>>) dst(%dma_wait3A_354 : memref<127x127xf32, #tpu.memory_space<hbm>>)
    %dma_wait3A_359 = arith.constant 1 : i32
    %dma_wait3A_360 = arith.constant 0 : i32
    %dma_wait3A_361 = arith.constant 0 : i32
    %dma_wait3A_362 = arith.constant 1 : i32
    %dma_wait3A_363 = arith.constant 0 : i32
    %dma_wait3A_364 = arith.constant 0 : i32
    %dma_wait3A_365 = tpu.memref_slice %arg7[%dma_wait3A_359, %dma_wait3A_363, %dma_wait3A_364] : memref<3x127x127xf32, #tpu.memory_space<vmem>> -> memref<1x127x127xf32, #tpu.memory_space<vmem>>
    %dma_wait3A_366 = tpu.memref_squeeze %dma_wait3A_365 : memref<1x127x127xf32, #tpu.memory_space<vmem>> -> memref<127x127xf32, #tpu.memory_space<vmem>>
    %dma_wait3A_367 = arith.constant 0 : i32
    %dma_wait3A_368 = arith.constant 0 : i32
    %dma_wait3A_369 = tpu.memref_slice %arg4[%dma_wait3A_360, %dma_wait3A_361, %dma_wait3A_367, %dma_wait3A_368] : memref<16x64x127x127xf32, #tpu.memory_space<hbm>> -> memref<1x1x127x127xf32, #tpu.memory_space<hbm>>
    %dma_wait3A_370 = tpu.memref_squeeze %dma_wait3A_369 : memref<1x1x127x127xf32, #tpu.memory_space<hbm>> -> memref<127x127xf32, #tpu.memory_space<hbm>>
    %dma_wait3A_371 = tpu.memref_slice %arg9[%dma_wait3A_362] : memref<3x!tpu.dma_semaphore, #tpu.memory_space<semaphore_mem>> -> memref<1x!tpu.dma_semaphore, #tpu.memory_space<semaphore_mem>>
    %dma_wait3A_372 = tpu.memref_squeeze %dma_wait3A_371 : memref<1x!tpu.dma_semaphore, #tpu.memory_space<semaphore_mem>> -> memref<!tpu.dma_semaphore, #tpu.memory_space<semaphore_mem>>
    %dma_wait3A_373 = arith.constant 0 : i32
    %dma_wait3A_374 = arith.constant 0 : i32
    %dma_wait3A_375 = tpu.memref_slice %arg4[%dma_wait3A_360, %dma_wait3A_361, %dma_wait3A_373, %dma_wait3A_374] : memref<16x64x127x127xf32, #tpu.memory_space<hbm>> -> memref<1x1x127x127xf32, #tpu.memory_space<hbm>>
    %dma_wait3A_376 = tpu.memref_squeeze %dma_wait3A_375 : memref<1x1x127x127xf32, #tpu.memory_space<hbm>> -> memref<127x127xf32, #tpu.memory_space<hbm>>
    %dma_wait3A_377 = arith.constant 0 : i32
    %dma_wait3A_378 = arith.constant 0 : i32
    %dma_wait3A_379 = tpu.memref_slice %arg7[%dma_wait3A_359, %dma_wait3A_377, %dma_wait3A_378] : memref<3x127x127xf32, #tpu.memory_space<vmem>> -> memref<1x127x127xf32, #tpu.memory_space<vmem>>
    %dma_wait3A_380 = tpu.memref_squeeze %dma_wait3A_379 : memref<1x127x127xf32, #tpu.memory_space<vmem>> -> memref<127x127xf32, #tpu.memory_space<vmem>>
    tpu.wait_dma2 semaphore(%dma_wait3A_372 : memref<!tpu.dma_semaphore, #tpu.memory_space<semaphore_mem>>) src(%dma_wait3A_380 : memref<127x127xf32, #tpu.memory_space<vmem>>) dst(%dma_wait3A_376 : memref<127x127xf32, #tpu.memory_space<hbm>>)
    %dma_wait3A_381 = arith.constant 2 : i32
    %dma_wait3A_382 = arith.constant 0 : i32
    %dma_wait3A_383 = arith.constant 0 : i32
    %dma_wait3A_384 = arith.constant 2 : i32
    %dma_wait3A_385 = arith.constant 0 : i32
    %dma_wait3A_386 = arith.constant 0 : i32
    %dma_wait3A_387 = tpu.memref_slice %arg7[%dma_wait3A_381, %dma_wait3A_385, %dma_wait3A_386] : memref<3x127x127xf32, #tpu.memory_space<vmem>> -> memref<1x127x127xf32, #tpu.memory_space<vmem>>
    %dma_wait3A_388 = tpu.memref_squeeze %dma_wait3A_387 : memref<1x127x127xf32, #tpu.memory_space<vmem>> -> memref<127x127xf32, #tpu.memory_space<vmem>>
    %dma_wait3A_389 = arith.constant 0 : i32
    %dma_wait3A_390 = arith.constant 0 : i32
    %dma_wait3A_391 = tpu.memref_slice %arg4[%dma_wait3A_382, %dma_wait3A_383, %dma_wait3A_389, %dma_wait3A_390] : memref<16x64x127x127xf32, #tpu.memory_space<hbm>> -> memref<1x1x127x127xf32, #tpu.memory_space<hbm>>
    %dma_wait3A_392 = tpu.memref_squeeze %dma_wait3A_391 : memref<1x1x127x127xf32, #tpu.memory_space<hbm>> -> memref<127x127xf32, #tpu.memory_space<hbm>>
    %dma_wait3A_393 = tpu.memref_slice %arg9[%dma_wait3A_384] : memref<3x!tpu.dma_semaphore, #tpu.memory_space<semaphore_mem>> -> memref<1x!tpu.dma_semaphore, #tpu.memory_space<semaphore_mem>>
    %dma_wait3A_394 = tpu.memref_squeeze %dma_wait3A_393 : memref<1x!tpu.dma_semaphore, #tpu.memory_space<semaphore_mem>> -> memref<!tpu.dma_semaphore, #tpu.memory_space<semaphore_mem>>
    %dma_wait3A_395 = arith.constant 0 : i32
    %dma_wait3A_396 = arith.constant 0 : i32
    %dma_wait3A_397 = tpu.memref_slice %arg4[%dma_wait3A_382, %dma_wait3A_383, %dma_wait3A_395, %dma_wait3A_396] : memref<16x64x127x127xf32, #tpu.memory_space<hbm>> -> memref<1x1x127x127xf32, #tpu.memory_space<hbm>>
    %dma_wait3A_398 = tpu.memref_squeeze %dma_wait3A_397 : memref<1x1x127x127xf32, #tpu.memory_space<hbm>> -> memref<127x127xf32, #tpu.memory_space<hbm>>
    %dma_wait3A_399 = arith.constant 0 : i32
    %dma_wait3A_400 = arith.constant 0 : i32
    %dma_wait3A_401 = tpu.memref_slice %arg7[%dma_wait3A_381, %dma_wait3A_399, %dma_wait3A_400] : memref<3x127x127xf32, #tpu.memory_space<vmem>> -> memref<1x127x127xf32, #tpu.memory_space<vmem>>
    %dma_wait3A_402 = tpu.memref_squeeze %dma_wait3A_401 : memref<1x127x127xf32, #tpu.memory_space<vmem>> -> memref<127x127xf32, #tpu.memory_space<vmem>>
    tpu.wait_dma2 semaphore(%dma_wait3A_394 : memref<!tpu.dma_semaphore, #tpu.memory_space<semaphore_mem>>) src(%dma_wait3A_402 : memref<127x127xf32, #tpu.memory_space<vmem>>) dst(%dma_wait3A_398 : memref<127x127xf32, #tpu.memory_space<hbm>>)
    return
  }
}

</mosaic_0001>

<sc_bundles>
// kernel: kernel.3.cloned.1.call-start
scs
__scs_entry_jumppad:
0x0: {  	(pc) =	sbr.rel $0x88, $3  }
0x1: {  	(tag) =	ssettag $0x0;
	lr =	simm.s32 $0x1  }
0x2: {  	[smem:$0x3F9F] =	sst lr;
	_ =	strace $0xD0000000  }
0x3: {  	_ = 	snop  }
0x4: {  	_ = 	snop  }
0x5: {  	_ = 	snop  }
0x6: {  	_ = 	snop  }
0x7: {  	_ = 	snop  }
__scs_overlays_trampoline_lowered:
0x8: {  	[smem:$0x3FAE] =	sst s0  }
0x9: {  	[smem:$0x3FAF] =	sst s1  }
0xa: {  	[smem:$0x3FB0] =	sst s2  }
0xb: {  	[smem:$0x3FB1] =	sst s3  }
0xc: {  	[smem:$0x3FB2] =	sst s4  }
0xd: {  	[smem:$0x3FB3] =	sst s5  }
0xe: {  	[smem:$0x3FB4] =	sst s6  }
0xf: {  	[smem:$0x3FB5] =	sst s7  }
0x10: {  	[smem:$0x3FB6] =	sst s8  }
0x11: {  	[smem:$0x3FB7] =	sst s9;
	s0 =	simm.s32 @!p0 $0x0  }
0x12: {  	s1 =	sld [smem:$0x3F9D];
	s0 =	simm.s32 @p0 $0x1  }
0x13: {  	[smem:$0x3FB8] =	sst s0;
	s0 =	simm.s32 @!p1 $0x0  }
0x14: {  	s2 =	sld [smem:$0x3F9C];
	s0 =	simm.s32 @p1 $0x1  }
0x15: {  	[smem:$0x3FB9] =	sst s0;
	s0 =	simm.s32 @!p2 $0x0  }
0x16: {  	s3 =	sld [smem:$0x3FDB];
	s0 =	simm.s32 @p2 $0x1  }
0x17: {  	s4 =	simm.s32 $0x1BF5;
	[smem:$0x3FBB] =	sst s0  }
0x18: {  	s0 =	sld [smem:$0x3F9E];
	_ =	swait.ge [sflag:s4], $0x0  }
0x19: {  	s7 =	sld [smem:$0x3F9F]  }
0x1a: {  	s8 =	sadd.s32 $0xFFFFE003, lr  }
0x1b: {  	s9 =	sadd.s32 $0xFFFFFEF7, lr;
	s5 =	simm.s32 $0xFFFFFFFF;
	p2 =	slt.u32 s8, $0xFFFFF086  }
0x1c: {  	p1 =	slt.u32 s9, $0xF7A;
	s5 =	simm.s32 @!p2 $0x0  }
0x1d: {  	s5 =	simm.s32 @p1 $0x1;
	p0 =	seq.s32 s7, s2  }
0x1e: {  	s7 =	smul.u32 @!p0 $0xF7A, s2;
	p2 =	seq.s32 @!p0 s5, $0x0  }
0x1f: {  	s9 =	smul.u32 $0xF7A, s1;
	s8 =	simm.s32 @!p0 $0x1BF5;
	p2 =	por !p2, p0  }
0x20: {  	[sflag:s8] =	ssyncset.s32 @!p0 $0xFFFFF086;
	s6 =	sadd.s32 @!p0 s3, s7;
	s7 =	simm.s32 @!p0 $0x108  }
0x21: {  	s3 =	sadd.s32 s3, s9;
	s6 =	sadd.s32 @!p0 $0x88, s6;
	s7 =	simm.s32 @p2 $0x1082  }
0x22: {  	[simem:s7], [sflag:s8] =	dma.local @!p0 [hbm:s6], $0xF7A  }
0x23: {  	s9 =	sor.u32 $0xD0000000, s2;
	s6 =	simm.s32 $0x108;
	_ =	swait.ge @!p0 [sflag:s8], $0x0  }
0x24: {  	s3 =	sadd.s32 $0x88, s3;
	s6 =	simm.s32 @!p1 $0x1082;
	[sflag:s4] =	ssyncset.s32 $0xFFFFF086  }
0x25: {  	[simem:s6], [sflag:s4] =	dma.local [hbm:s3], $0xF7A  }
0x26: {  	[smem:$0x3F9F] =	sst s1;
	(tag) =	ssettag s2;
	_ =	strace s9  }
0x27: {  	s1 =	sld [smem:$0x3FAF]  }
0x28: {  	s2 =	sld [smem:$0x3FB0]  }
0x29: {  	s4 =	sld [smem:$0x3FB2]  }
0x2a: {  	p0 =	seq.s32 s5, $0x0;
	s5 =	sld [smem:$0x3FB3]  }
0x2b: {  	s6 =	sld [smem:$0x3FB4]  }
0x2c: {  	s7 =	sld [smem:$0x3FB5]  }
0x2d: {  	s3 =	simm.s32 $0x108;
	s8 =	sld [smem:$0x3FB6]  }
0x2e: {  	s3 =	simm.s32 @!p0 $0x1082;
	s9 =	sld [smem:$0x3FB7]  }
0x2f: {  	lr =	sadd.s32 s0, s3;
	s0 =	sld [smem:$0x3FAE]  }
0x30: {  	s3 =	sld [smem:$0x3FB1]  }
0x31: {  	[smem:$0x3FBA] =	sst s10  }
0x32: {  	s10 =	sld [smem:$0x3FB8];
	_ =	sdelay $0x3  }
0x33: {  	p0 =	seq.s32 s10, $0x1;
	s10 =	sld [smem:$0x3FBA];
	_ =	sdelay $0x3  }
0x34: {  	[smem:$0x3FBA] =	sst s10  }
0x35: {  	s10 =	sld [smem:$0x3FB9];
	_ =	sdelay $0x3  }
0x36: {  	p1 =	seq.s32 s10, $0x1;
	s10 =	sld [smem:$0x3FBA];
	_ =	sdelay $0x3  }
0x37: {  	[smem:$0x3FBA] =	sst s10  }
0x38: {  	s10 =	sld [smem:$0x3FBB]  }
0x39: {  	_ = 	snop;
	(pc) =	sbr.ind lr, $3  }
0x3a: {  	_ = 	snop  }
0x3b: {  	_ = 	snop  }
0x3c: {  	p2 =	seq.s32 s10, $0x1;
	s10 =	sld [smem:$0x3FBA]  }
0x3d: {  	_ =	shalt  }
0x3e: {  	_ =	shalt  }
0x3f: {  	_ =	shalt  }
0x40: {  	_ =	shalt  }
0x41: {  	_ =	shalt  }
0x42: {  	_ =	shalt  }
0x43: {  	_ =	shalt  }
0x44: {  	_ =	shalt  }
0x45: {  	_ =	shalt  }
0x46: {  	_ =	shalt  }
0x47: {  	_ =	shalt  }
0x48: {  	_ =	shalt  }
0x49: {  	_ =	shalt  }
0x4a: {  	_ =	shalt  }
0x4b: {  	_ =	shalt  }
0x4c: {  	_ =	shalt  }
0x4d: {  	_ =	shalt  }
0x4e: {  	_ =	shalt  }
0x4f: {  	_ =	shalt  }
0x50: {  	_ =	shalt  }
0x51: {  	_ =	shalt  }
0x52: {  	_ =	shalt  }
0x53: {  	_ =	shalt  }
0x54: {  	_ =	shalt  }
0x55: {  	_ =	shalt  }
0x56: {  	_ =	shalt  }
0x57: {  	_ =	shalt  }
0x58: {  	_ =	shalt  }
0x59: {  	_ =	shalt  }
0x5a: {  	_ =	shalt  }
0x5b: {  	_ =	shalt  }
0x5c: {  	_ =	shalt  }
0x5d: {  	_ =	shalt  }
0x5e: {  	_ =	shalt  }
0x5f: {  	_ =	shalt  }
0x60: {  	_ =	shalt  }
0x61: {  	_ =	shalt  }
0x62: {  	_ =	shalt  }
0x63: {  	_ =	shalt  }
0x64: {  	_ =	shalt  }
0x65: {  	_ =	shalt  }
0x66: {  	_ =	shalt  }
0x67: {  	_ =	shalt  }
0x68: {  	_ =	shalt  }
0x69: {  	_ =	shalt  }
0x6a: {  	_ =	shalt  }
0x6b: {  	_ =	shalt  }
0x6c: {  	_ =	shalt  }
0x6d: {  	_ =	shalt  }
0x6e: {  	_ =	shalt  }
0x6f: {  	_ =	shalt  }
0x70: {  	_ =	shalt  }
0x71: {  	_ =	shalt  }
0x72: {  	_ =	shalt  }
0x73: {  	_ =	shalt  }
0x74: {  	_ =	shalt  }
0x75: {  	_ =	shalt  }
0x76: {  	_ =	shalt  }
0x77: {  	_ =	shalt  }
0x78: {  	_ =	shalt  }
0x79: {  	_ =	shalt  }
0x7a: {  	_ =	shalt  }
0x7b: {  	_ =	shalt  }
0x7c: {  	_ =	shalt  }
0x7d: {  	_ =	shalt  }
0x7e: {  	_ =	shalt  }
0x7f: {  	_ =	shalt  }
0x80: {  	_ =	shalt  }
0x81: {  	_ =	shalt  }
0x82: {  	_ =	shalt  }
0x83: {  	_ =	shalt  }
0x84: {  	_ =	shalt  }
0x85: {  	_ =	shalt  }
0x86: {  	_ =	shalt  }
0x87: {  	_ =	shalt  }
.Lfunc_end0:
.L_simem_size_0:
called_computation.2_lowered:
.L_overlay_start_0:
0x88: {  	s2 =	sld [smem:$0x3FD9]  }
0x89: {  	s3 =	sld [smem:$0x3FFE];
	_ =	sdelay $0x1  }
0x8a: {  	s1 =	srdreg.scid  }
0x8b: {  	s0 =	sand.u32 $0x1, s1  }
0x8c: {  	s17 =	sshll.u32 s0, $0xA;
	s2 =	sadd.s32 s3, s2  }
0x8d: {  	s2 =	sadd.s32 s2, s17  }
0x8e: {  	[smem:$0x3FC6] =	sst s2  }
0x8f: {  	_ = 	snop  }
0x90: {  	s2 =	sld [smem:$0x3FD0];
	(tm) =	ssettm $0x1  }
0x91: {  	s18 =	sld [smem:$0x3FFB];
	_ =	sdelay $0x3  }
0x92: {  	_ =	strace s18  }
0x93: {  	s3 =	sld [smem:$0x3FFC];
	_ =	sdelay $0x3  }
0x94: {  	_ =	strace s3  }
0x95: {  	s3 =	sld [smem:$0x3FFD];
	_ =	sdelay $0x3  }
0x96: {  	_ =	strace s3  }
0x97: {  	_ =	strace $0x8FFFFFFF  }
0x98: {  	s19 =	sld [smem:$0x3FDB];
	_ =	sdelay $0x1  }
0x99: {  	s4 =	simm.s32 $_scs_section_size  }
0x9a: {  	s5 =	simm.s32 $_size__tile_overlayer_lowered;
	s6 =	simm.s32 $_tile_overlayer_lowered  }
0x9b: {  	s22 =	simm.s32 $0x1BFF;
	s21 =	sshll.u32 s6, $0x1;
	s3 =	sadd.s32 s4, s19  }
0x9c: {  	s7 =	simm.s32 $0x0;
	s20 =	sshll.u32 s5, $0x1;
	s5 =	sadd.s32 s21, s3  }
0x9d: {  	[timem:s7], [sflag:s22] =	dma.local [hbm:s5], s20  }
0x9e: {  	_ =	swait.ge [sflag:s22], s20  }
0x9f: {  	s4 =	ssub.s32 $0x0, s20;
	[sflag:s22] =	ssyncset.done $0x0  }
0xa0: {  	[sflag:s22] =	ssyncadd.s32 s4;
	_ =	sdelay $0x1  }
0xa1: {  	s23 =	simm.s32 $0x1B8B  }
0xa2: {  	_ =	swait.ge [sflag:s23], $0x1  }
0xa3: {  	[sflag:s23] =	ssyncset.done $0x0  }
0xa4: {  	s25 =	simm.s32 $0x1B8E;
	s24 =	sld [smem:$0x3FFE];
	[sflag:s23] =	ssyncadd.s32 $0xFFFFFFFF  }
0xa5: {  	s26 =	simm.s32 $execute0_lowered;
	[smem:$0x3FD2] =	sst s25  }
0xa6: {  	s5 =	sshll.u32 s26, $0x1;
	_ =	strace $0x80000049;
	[dreg:$0x1] =	wrdreg $0xFFFFFFFF  }
0xa7: {  	s28 =	simm.s32 $_size_execute0_lowered;
	s3 =	sadd.s32 s3, s5;
	[dreg:$0x0] =	wrdreg $0x0  }
0xa8: {  	s5 =	sshll.u32 s28, $0x1;
	[dreg:$0x2] =	wrdreg s3  }
0xa9: {  	[dreg:$0x3] =	wrdreg s5  }
0xaa: {  	[dreg:$0x4] =	wrdreg $0xC0  }
0xab: {  	_ =	task [dreg:s7], $0x5FFFF  }
0xac: {  	[dreg:$0x1] =	wrdreg $0xFFFFFFFF  }
0xad: {  	[dreg:$0x0] =	wrdreg $0x60  }
0xae: {  	[dreg:$0x2] =	wrdreg s24  }
0xaf: {  	[dreg:$0x3] =	wrdreg s2  }
0xb0: {  	[dreg:$0x4] =	wrdreg $0x9  }
0xb1: {  	_ =	task.clear_ibuf [dreg:s7], $0x5FFFF;
	_ =	strace $0x90000049  }
0xb2: {  	s29 =	simm.s32 $0x9;
	_ =	strace $0x8000004B  }
0xb3: {  	_ =	swait.ge [sflag:s29], $0x1  }
0xb4: {  	[sflag:s29] =	ssyncadd.s32 $0xFFFFFFFF  }
0xb5: {  	_ =	strace $0x9000004B  }
0xb6: {  	_ =	sfence  }
0xb7: {  	s30 =	sld [smem:$0x0];
	_ =	sdelay $0x2  }
0xb8: {  	s31 =	sshll.u32 s1, $0xD;
	s1 =	sshrl.u32 s1, $0x2  }
0xb9: {  	s3 =	sand.u32 $0x4000, s31;
	s1 =	sadd.s32 s1, s30  }
0xba: {  	s0 =	sor.u32 s3, s0;
	s1 =	sshll.u32 s1, $0x11  }
0xbb: {  	s0 =	sor.u32 s1, s0  }
0xbc: {  	s0 =	sadd.s32 $0x8F2B, s0  }
0xbd: {  	[sflag:s0] =	ssyncadd.remote.s32 $0x1  }
0xbe: {  	_ =	sfence.sel $0xFFFF  }
0xbf: {  	[dreg:$0x0] =	wrdreg $0xFFFFFFFF;
	(pc) =	sbr.abs _section_cstart, $3  }
0xc0: {  	[dreg:$0x1] =	wrdreg $0xFFFFFFFF  }
0xc1: {  	_ =	task.clear_ibuf [dreg:s7], $0x2FFFF;
	_ =	strace $0x9FFFFFFF  }
0xc2: {  	(tm) =	ssettm $0x7FFFFFFF  }
0xc3: {  	_ =	shalt  }
tec
execute0_lowered:
.L_overlay_start_1:
0x0: {  	(tag) =	ssettag $0x1  }
0x1: {  	s0 =	srdreg.scid  }
0x2: {  	s1 =	rddreg [dreg:$0x0];
	s10 =	stileid.u32  }
0x3: {  	s2 =	rddreg [dreg:$0x1];
	s4 =	simm.s32 $0x0;
	s8 =	simm.s32 $0x1  }
0x4: {  	s14 =	simm.s32 $0x90;
	s15 =	simm.s32 $0x200;
	s19 =	simm.s32 $0x4  }
0x5: {  	s20 =	simm.s32 $0x5;
	s21 =	simm.s32 $0x6;
	s0 =	sand.u32 $0x1, s0  }
0x6: {  	s22 =	simm.s32 $0x0;
	s5 =	sshll.u32 s10, $0x6;
	s3 =	sshll.u32 s0, $0x5  }
0x7: {  	[smem:$0x7FF] =	sst s4;
	s30 =	sshll.u32 s10, $0x18;
	s6 =	sor.u32 s3, s5  }
0x8: {  	s12 =	sshll.u32 s10, $0x1;
	p1 =	seq.s32 s0, $0x1;
	p0 =	seq.s32 s6, $0x0  }
0x9: {  	s13 =	sshllo.u32 s10, $0x1;
	_ =	strace $0x8000004A;
	p0 =	por !p0, !p1  }
0xa: {  	s7 =	ssub.s32 $0x2, s0;
	s0 =	sshll.u32 s0, $0x17;
	p0 =	por !p0, !p0  }
0xb: {  	s5 =	sadd.s32 $0xE00, s1;
	s9 =	sshrl.u32 s7, $0x1;
	s8 =	simm.s32 @!p0 $0x0  }
0xc: {  	s1 =	sadd.s32 $0x2000E00, s1;
	s26 =	ssub.s32 s7, s9;
	s28 =	ssub.s32 s10, s8  }
0xd: {  	[dreg:$0x3] =	wrdreg s1;
	s31 =	smax.u32 s26, $0x1;
	s29 =	sshll.u32 s28, $0x18  }
0xe: {  	[dreg:$0x7] =	wrdreg s31;
	s9 =	sor.u32 s0, s29;
	s0 =	sor.u32 s30, s0  }
0xf: {  	s8 =	sshll.u32 s28, $0x1;
	[dreg:$0x4] =	wrdreg s9;
	s9 =	sor.u32 $0x40000, s0  }
0x10: {  	v2 =	vmov s12;
	v3 =	vmov s13;
	s7 =	sshllo.u32 s28, $0x1;
	v0 =	vmov s8;
	s0 =	sor.u32 $0x80000, s0;
	[dreg:$0x5] =	wrdreg s9  }
0x11: {  	v2 =	vbroadcast v2, $0x0;
	s11 =	sor.u32 $0x3, s6;
	s10 =	smul.u32 $0xFE000, s10;
	v1 =	vmov s7;
	v0 =	vbroadcast v0, $0x0;
	[dreg:$0x6] =	wrdreg s0  }
.LBB2_1:
0x12: {  	s0 =	rddreg [dreg:$0x3];
	s26 =	simm.s32 $0x7  }
0x13: {  	[tilespmem:s4], [sflag:$0x7] =	stream.linear.gather [hbm4b:s0+s4], $0x20, $0x38;
	[tilespmem:$0x194F0] =	vst v63  }
0x14: {  	_ =	swait.ge [sflag:s26], $0x20  }
0x15: {  	[sflag:s26] =	ssyncset.done $0x0  }
0x16: {  	[sflag:s26] =	ssyncadd.s32 $0xFFFFFFE0  }
0x17: {  	v4 =	vld.idx.msk [tilespmem:v0+s4+$0x0], $0xffff  }
0x18: {  	v5 =	vld.idx.msk [tilespmem:v1+s4+$0x0], $0xffff;
	_ =	sdelay $0x3  }
0x19: {  	v4 =	vxor.u32 $0x80000000, v4  }
0x1a: {  	(xrf0) =	vmax.scan.msk.u32 $0xffff, v4;
	v4 =	vxor.u32 $0x80000000, v5  }
0x1b: {  	(xrf0) =	vmax.scan.msk.u32 $0xffff, v4;
	_ =	sdelay $0x4  }
0x1c: {  	v4, _, _ =	vpop (xrf0)  }
0x1d: {  	(v2sf) =	vpush v4, $0xF;
	v4, _, _ =	vpop (xrf0)  }
0x1e: {  	(v2sf) =	vpush v4, $0xF;
	_ =	sdelay $0xd  }
0x1f: {  	s29 =	spop (v2sf)  }
0x20: {  	s1 =	spop (v2sf)  }
0x21: {  	s6 =	sxor.u32 $0x80000000, s1  }
0x22: {  	p0 =	sgt.s32 s1, $0xFFFFFFFF;
	s1 =	sand.u32 $0xF, s1;
	p1 =	slt.s32 s6, $0x1  }
0x23: {  	s7 =	sshra.s32 s6, $0x1F;
	p6 =	sne.s32 s1, $0x0;
	p0 =	por p0, p1  }
0x24: {  	s30 =	sshrl.u32 s7, $0x1C;
	p0 =	por !p6, !p0  }
0x25: {  	s1 =	sadd.s32 s30, s6;
	s6 =	simm.s32 $0x1;
	p0 =	por !p0, !p0  }
0x26: {  	s1 =	sshrl.u32 s1, $0x4;
	s6 =	simm.s32 @!p0 $0x0  }
0x27: {  	s1 =	ssub.s32 s1, s6  }
0x28: {  	s1 =	sshll.u32 s1, $0x4  }
0x29: {  	s31 =	rddreg [dreg:$0x4];
	s0 =	sshll.u32 s29, $0x9;
	p0 =	slt.s32 s1, $0x170  }
0x2a: {  	s0 =	sadd.s32 s0, s31;
	s1 =	simm.s32 @!p0 $0x170  }
0x2b: {  	s0 =	sadd.s32 s1, s0  }
0x2c: {  	s0 =	sshrl.u32 s0, $0x3  }
0x2d: {  	s7 =	simm.s32 $0x20;
	s0 =	sadd.s32 s5, s0  }
0x2e: {  	[tilespmem:s7], [sflag:$0x1] =	stream.strided.gather [hbm4b:s0+s14], $0x4770, s15, s14, $0x38;
	[tilespmem:$0x194F0] =	vst v63  }
0x2f: {  	v4 =	vld.idx.msk [tilespmem:v2+s4+$0x0], $0xffff  }
0x30: {  	v5 =	vld.idx.msk [tilespmem:v3+s4+$0x0], $0xffff;
	_ =	sdelay $0x3  }
0x31: {  	v4 =	vxor.u32 $0x80000000, v4  }
0x32: {  	(xrf0) =	vmax.scan.msk.u32 $0xffff, v4;
	v4 =	vxor.u32 $0x80000000, v5  }
0x33: {  	(xrf0) =	vmax.scan.msk.u32 $0xffff, v4;
	_ =	sdelay $0x4  }
0x34: {  	v4, _, _ =	vpop (xrf0)  }
0x35: {  	(v2sf) =	vpush v4, $0xF;
	v4, _, _ =	vpop (xrf0)  }
0x36: {  	(v2sf) =	vpush v4, $0xF;
	_ =	sdelay $0xd  }
0x37: {  	s8 =	spop (v2sf)  }
0x38: {  	s9 =	spop (v2sf)  }
0x39: {  	s12 =	sxor.u32 $0x80000000, s9  }
0x3a: {  	p1 =	sgt.s32 s9, $0xFFFFFFFF;
	s1 =	sand.u32 $0xF, s9;
	p2 =	slt.s32 s12, $0x1  }
0x3b: {  	s13 =	sshra.s32 s12, $0x1F;
	p3 =	sne.s32 s1, $0x0;
	p0 =	por p1, p2  }
0x3c: {  	s16 =	sshrl.u32 s13, $0x1C;
	p0 =	por !p3, !p0  }
0x3d: {  	s6 =	simm.s32 $0x1;
	s1 =	sadd.s32 s16, s12;
	p0 =	por !p0, !p0  }
0x3e: {  	s1 =	sshrl.u32 s1, $0x4;
	s6 =	simm.s32 @!p0 $0x0  }
0x3f: {  	s1 =	ssub.s32 s1, s6  }
0x40: {  	s1 =	sshll.u32 s1, $0x4  }
0x41: {  	s17 =	rddreg [dreg:$0x5];
	s0 =	sshll.u32 s8, $0x9;
	p0 =	slt.s32 s1, $0x170  }
0x42: {  	s0 =	sadd.s32 s0, s17;
	s1 =	simm.s32 @!p0 $0x170  }
0x43: {  	s0 =	sadd.s32 s1, s0  }
0x44: {  	s0 =	sshrl.u32 s0, $0x3  }
0x45: {  	s18 =	simm.s32 $0x4790;
	s0 =	sadd.s32 s5, s0  }
0x46: {  	[tilespmem:s18], [sflag:$0x2] =	stream.strided.gather [hbm4b:s0+s14], $0x4770, s15, s14, $0x38;
	[tilespmem:$0x194F0] =	vst v63  }
0x47: {  	v4 =	vld.idx.msk [tilespmem:v2+s4+$0x0], $0xffff  }
0x48: {  	v5 =	vld.idx.msk [tilespmem:v3+s4+$0x0], $0xffff;
	_ =	sdelay $0x3  }
0x49: {  	v4 =	vxor.u32 $0x80000000, v4  }
0x4a: {  	(xrf0) =	vmax.scan.msk.u32 $0xffff, v4;
	v4 =	vxor.u32 $0x80000000, v5  }
0x4b: {  	(xrf0) =	vmax.scan.msk.u32 $0xffff, v4;
	_ =	sdelay $0x4  }
0x4c: {  	v4, _, _ =	vpop (xrf0)  }
0x4d: {  	(v2sf) =	vpush v4, $0xF;
	v4, _, _ =	vpop (xrf0)  }
0x4e: {  	(v2sf) =	vpush v4, $0xF;
	_ =	sdelay $0xd  }
0x4f: {  	s23 =	spop (v2sf)  }
0x50: {  	s24 =	spop (v2sf)  }
0x51: {  	s25 =	sxor.u32 $0x80000000, s24  }
0x52: {  	p4 =	sgt.s32 s24, $0xFFFFFFFF;
	s1 =	sand.u32 $0xF, s24;
	p5 =	slt.s32 s25, $0x1  }
0x53: {  	s26 =	sshra.s32 s25, $0x1F;
	p6 =	sne.s32 s1, $0x0;
	p0 =	por p4, p5  }
0x54: {  	s29 =	sshrl.u32 s26, $0x1C;
	p0 =	por !p6, !p0  }
0x55: {  	s6 =	simm.s32 $0x1;
	s1 =	sadd.s32 s29, s25;
	p0 =	por !p0, !p0  }
0x56: {  	s1 =	sshrl.u32 s1, $0x4;
	s6 =	simm.s32 @!p0 $0x0  }
0x57: {  	s1 =	ssub.s32 s1, s6  }
0x58: {  	s1 =	sshll.u32 s1, $0x4  }
0x59: {  	s30 =	rddreg [dreg:$0x6];
	s0 =	sshll.u32 s23, $0x9;
	p0 =	slt.s32 s1, $0x170  }
0x5a: {  	s0 =	sadd.s32 s0, s30;
	s1 =	simm.s32 @!p0 $0x170  }
0x5b: {  	s28 =	simm.s32 $0x0;
	s31 =	simm.s32 $0x8F00;
	s0 =	sadd.s32 s1, s0  }
0x5c: {  	s9 =	simm.s32 $0xD85F;
	s24 =	simm.s32 $0x140;
	s0 =	sshrl.u32 s0, $0x3  }
0x5d: {  	s26 =	simm.s32 $0xD670;
	s25 =	simm.s32 $0x45E0;
	s0 =	sadd.s32 s5, s0  }
0x5e: {  	[tilespmem:s31], [sflag:$0x3] =	stream.strided.gather [hbm4b:s0+s14], $0x4770, s15, s14, $0x38;
	[tilespmem:$0x194F0] =	vst v63  }
.LBB2_2:
0x5f: {  	s0 =	smul.u32 $0xAB, s28;
	_ =	sdelay $0x1  }
0x60: {  	s0 =	sshrl.u32 s0, $0x9  }
0x61: {  	s0 =	sand.u32 $0x7F, s0  }
0x62: {  	s0 =	smul.u32 $0x3, s0;
	_ =	sdelay $0x1  }
0x63: {  	s0 =	ssub.s32 s28, s0  }
0x64: {  	s30 =	sand.u32 $0xFF, s0  }
0x65: {  	s29 =	sadd.s32 $0x1, s30  }
0x66: {  	_ =	swait.ge [sflag:s29], $0x4770  }
0x67: {  	p0 =	slt.u32 s28, $0x3;
	[sflag:s29] =	ssyncset.done $0x0  }
0x68: {  	s0 =	sadd.s32 @!p0 $0x4, s30;
	[sflag:s29] =	ssyncadd.s32 $0xFFFFB890  }
0x69: {  	_ =	swait.ge @!p0 [sflag:s0], $0x3F80  }
0x6a: {  	[sflag:s0] =	ssyncset.done @!p0 $0x0  }
0x6b: {  	[sflag:s0] =	ssyncadd.s32 @!p0 $0xFFFFC080  }
0x6c: {  	v4 =	vld.idx.msk [tilespmem:v3+s4+$0x0], $0xffff;
	_ =	sdelay $0x4  }
0x6d: {  	v4 =	vxor.u32 $0x80000000, v4  }
0x6e: {  	(xrf0) =	vmax.scan.msk.u32 $0xffff, v4;
	_ =	sdelay $0x5  }
0x6f: {  	v4, _, _ =	vpop (xrf0)  }
0x70: {  	(v2sf) =	vpush v4, $0xF;
	_ =	sdelay $0xe  }
0x71: {  	s0 =	spop (v2sf)  }
0x72: {  	s1 =	sxor.u32 $0x80000000, s0  }
0x73: {  	p1 =	sgt.s32 s0, $0xFFFFFFFF;
	s6 =	sand.u32 $0xF, s0;
	p5 =	slt.s32 s1, $0x1  }
0x74: {  	s7 =	sshra.s32 s1, $0x1F;
	p6 =	sne.s32 s6, $0x0;
	p0 =	por p1, p5  }
0x75: {  	s7 =	sshrl.u32 s7, $0x1C;
	p0 =	por !p6, !p0  }
0x76: {  	s6 =	sadd.s32 s7, s1;
	s7 =	simm.s32 $0x1;
	p0 =	por !p0, !p0  }
0x77: {  	s6 =	sshrl.u32 s6, $0x4;
	s7 =	simm.s32 @!p0 $0x0  }
0x78: {  	s8 =	smulhi.u32 $0xAAAAAAAB, s28;
	s6 =	ssub.s32 s6, s7  }
0x79: {  	s18 =	sshll.u32 s6, $0x4  }
0x7a: {  	s8 =	sshrl.u32 s8, $0x1;
	s13 =	smul.u32 $0x11DC0, s30;
	p0 =	slt.s32 s18, $0x170  }
0x7b: {  	s12 =	smul.u32 $0xFFFD0600, s8;
	s18 =	simm.s32 @!p0 $0x170  }
0x7c: {  	s17 =	smul.u32 $0x35940, s8;
	s8 =	sshrl.u32 s13, $0x2;
	s1 =	ssub.s32 s1, s18  }
0x7d: {  	s23 =	sand.u32 $0x7, s0;
	s7 =	sadd.s32 $0x6F, s1;
	s1 =	sshll.u32 s1, $0x2  }
0x7e: {  	s6 =	sshll.u32 s23, $0x2;
	s23 =	smul.u32 $0xFE00, s30;
	s1 =	sand.u32 $0xFFFFFFE0, s1  }
0x7f: {  	s13 =	sshll.u32 s7, $0x2;
	s7 =	sand.u32 $0x7, s7;
	s1 =	sor.u32 s6, s1  }
0x80: {  	s13 =	sand.u32 $0xFFFFFFE0, s13;
	s7 =	sshll.u32 s7, $0x2;
	s1 =	ssub.s32 s1, s17  }
0x81: {  	s7 =	sor.u32 s7, s13;
	s13 =	sshrl.u32 s23, $0x2;
	s23 =	sshra.s32 s1, $0x2  }
0x82: {  	s23 =	sadd.s32 s23, s24  }
0x83: {  	v11 =	vld [tilespmem:s23+$0x90]  }
0x84: {  	v12 =	vld [tilespmem:s23+$0xA0]  }
0x85: {  	v13 =	vld [tilespmem:s23+$0xB0]  }
0x86: {  	v14 =	vld [tilespmem:s23+$0xC0]  }
0x87: {  	v15 =	vld [tilespmem:s23+$0xD0]  }
0x88: {  	v16 =	vld [tilespmem:s23+$0xE0]  }
0x89: {  	v17 =	vld [tilespmem:s23+$0xF0]  }
0x8a: {  	v9 =	vld [tilespmem:s23+$0xFFFFFEF0]  }
0x8b: {  	s12 =	sshra.s32 s12, $0x2;
	v10 =	vld [tilespmem:s23+$0xFFFFFF00]  }
0x8c: {  	v4 =	vmov s12;
	v19 =	vld [tilespmem:s23+$0xFFFFFFA0]  }
0x8d: {  	v20 =	vld [tilespmem:s23+$0xFFFFFFB0]  }
0x8e: {  	s7 =	ssub.s32 s7, s17;
	v21 =	vld [tilespmem:s23+$0xFFFFFFC0]  }
0x8f: {  	s7 =	sshra.s32 s7, $0x2;
	v22 =	vld [tilespmem:s23+$0xFFFFFFD0]  }
0x90: {  	s7 =	sadd.s32 s7, s24;
	v23 =	vld [tilespmem:s23+$0x0]  }
0x91: {  	v18 =	vld [tilespmem:s7+$0x90];
	[tilespmem:v4+s9+$0xFFFFFF91 ss:$0x1] =	vst.idx.msk $0xffff, v11  }
0x92: {  	v24 =	vld [tilespmem:s23+$0x10];
	[tilespmem:v4+s9+$0xFFFFFFA1 ss:$0x1] =	vst.idx.msk $0xffff, v12  }
0x93: {  	v11 =	vld [tilespmem:s23+$0xFFFFFF70];
	[tilespmem:v4+s9+$0xFFFFFFB1 ss:$0x1] =	vst.idx.msk $0xffff, v13  }
0x94: {  	v12 =	vld [tilespmem:s23+$0xFFFFFF80];
	[tilespmem:v4+s9+$0xFFFFFFC1 ss:$0x1] =	vst.idx.msk $0xffff, v14  }
0x95: {  	v13 =	vld [tilespmem:s23+$0xFFFFFF90];
	[tilespmem:v4+s9+$0xFFFFFFD1 ss:$0x1] =	vst.idx.msk $0xffff, v15  }
0x96: {  	v14 =	vld [tilespmem:s23+$0x20];
	[tilespmem:v4+s9+$0xFFFFFFE1 ss:$0x1] =	vst.idx.msk $0xffff, v16  }
0x97: {  	v15 =	vld [tilespmem:s23+$0x30];
	[tilespmem:v4+s9+$0xFFFFFFF1 ss:$0x1] =	vst.idx.msk $0xffff, v17  }
0x98: {  	v16 =	vld [tilespmem:s23+$0x40];
	[tilespmem:v4+s9+$0x0 ss:$0x1] =	vst.idx.msk $0xffff, v18  }
0x99: {  	v18 =	vld [tilespmem:s7+$0xFFFFFF70];
	[tilespmem:v4+s9+$0xFFFFFE91 ss:$0x1] =	vst.idx.msk $0xffff, v11  }
0x9a: {  	v17 =	vld [tilespmem:s23+$0x50];
	[tilespmem:v4+s9+$0xFFFFFEA1 ss:$0x1] =	vst.idx.msk $0xffff, v12  }
0x9b: {  	v12 =	vld [tilespmem:s23+$0x60];
	[tilespmem:v4+s9+$0xFFFFFEB1 ss:$0x1] =	vst.idx.msk $0xffff, v13  }
0x9c: {  	v13 =	vld [tilespmem:s7+$0x0];
	[tilespmem:v4+s9+$0xFFFFFF11 ss:$0x1] =	vst.idx.msk $0xffff, v23  }
0x9d: {  	v5 =	vld [tilespmem:s23+$0xFFFFFF10];
	[tilespmem:v4+s9+$0xFFFFFEC1 ss:$0x1] =	vst.idx.msk $0xffff, v19  }
0x9e: {  	v6 =	vld [tilespmem:s23+$0xFFFFFF20];
	[tilespmem:v4+s9+$0xFFFFFF21 ss:$0x1] =	vst.idx.msk $0xffff, v24  }
0x9f: {  	v7 =	vld [tilespmem:s23+$0xFFFFFF30];
	[tilespmem:v4+s9+$0xFFFFFED1 ss:$0x1] =	vst.idx.msk $0xffff, v20  }
0xa0: {  	s16 =	sadd.s32 s12, s26;
	v8 =	vld [tilespmem:s23+$0xFFFFFF40];
	[tilespmem:v4+s9+$0xFFFFFEE1 ss:$0x1] =	vst.idx.msk $0xffff, v21  }
0xa1: {  	s31 =	sadd.s32 $0x20, s8;
	s8 =	smov.u32 s9;
	s12 =	simm.s32 $0x0;
	v11 =	vld [tilespmem:s7+$0xFFFFFEE0];
	[tilespmem:v4+s9+$0xFFFFFEF1 ss:$0x1] =	vst.idx.msk $0xffff, v22  }
0xa2: {  	s1 =	sadd.s32 $0xD670, s13;
	s13 =	sadd.s32 $0x240, s23;
	[tilespmem:v4+s9+$0xFFFFFF00 ss:$0x1] =	vst.idx.msk $0xffff, v18;
	v18 =	vld [tilespmem:s23+$0xFFFFFEE0];
	s23 =	smov.u32 s9  }
.LBB2_3:
0xa3: {  	v19 =	vld [tilespmem:s13+$0x90];
	[tilespmem:v4+s8+$0xFFFFFF31 ss:$0x1] =	vst.idx.msk $0xffff, v14  }
0xa4: {  	v14 =	vld [tilespmem:s13+$0xA0];
	[tilespmem:v4+s8+$0xFFFFFF41 ss:$0x1] =	vst.idx.msk $0xffff, v15  }
0xa5: {  	v15 =	vld [tilespmem:s13+$0xB0];
	[tilespmem:v4+s8+$0xFFFFFF51 ss:$0x1] =	vst.idx.msk $0xffff, v16  }
0xa6: {  	v16 =	vld [tilespmem:s13+$0xC0];
	[tilespmem:v4+s8+$0xFFFFFF61 ss:$0x1] =	vst.idx.msk $0xffff, v17  }
0xa7: {  	v17 =	vld [tilespmem:s13+$0xD0];
	[tilespmem:v4+s8+$0xFFFFFE11 ss:$0x1] =	vst.idx.msk $0xffff, v18  }
0xa8: {  	v18 =	vld [tilespmem:s13+$0xE0];
	[tilespmem:v4+s8+$0xFFFFFE21 ss:$0x1] =	vst.idx.msk $0xffff, v9  }
0xa9: {  	s7 =	sadd.s32 $0x240, s7;
	s8 =	sadd.s32 $0x200, s8;
	v20 =	vld [tilespmem:s13+$0xF0];
	[tilespmem:v4+s23+$0xFFFFFE31 ss:$0x1] =	vst.idx.msk $0xffff, v10  }
0xaa: {  	v21 =	vld [tilespmem:s7+$0x90];
	[tilespmem:v4+s8+$0xFFFFFF91 ss:$0x1] =	vst.idx.msk $0xffff, v19  }
0xab: {  	v9 =	vld [tilespmem:s13+$0xFFFFFEF0];
	[tilespmem:v4+s8+$0xFFFFFFA1 ss:$0x1] =	vst.idx.msk $0xffff, v14  }
0xac: {  	s12 =	sadd.s32 $0x4, s12;
	v10 =	vld [tilespmem:s13+$0xFFFFFF00];
	[tilespmem:v4+s8+$0xFFFFFFB1 ss:$0x1] =	vst.idx.msk $0xffff, v15  }
0xad: {  	p0 =	slt.u32 s12, $0x78;
	v14 =	vld [tilespmem:s13+$0xFFFFFF10];
	[tilespmem:v4+s8+$0xFFFFFFC1 ss:$0x1] =	vst.idx.msk $0xffff, v16  }
0xae: {  	v15 =	vld [tilespmem:s13+$0xFFFFFF20];
	[tilespmem:v4+s8+$0xFFFFFFD1 ss:$0x1] =	vst.idx.msk $0xffff, v17  }
0xaf: {  	v16 =	vld [tilespmem:s13+$0xFFFFFF30];
	[tilespmem:v4+s8+$0xFFFFFFE1 ss:$0x1] =	vst.idx.msk $0xffff, v18  }
0xb0: {  	v17 =	vld [tilespmem:s13+$0xFFFFFF40];
	[tilespmem:v4+s8+$0xFFFFFFF1 ss:$0x1] =	vst.idx.msk $0xffff, v20  }
0xb1: {  	v18 =	vld [tilespmem:s7+$0xFFFFFEE0];
	[tilespmem:v4+s8+$0x0 ss:$0x1] =	vst.idx.msk $0xffff, v21  }
0xb2: {  	v19 =	vld [tilespmem:s13+$0xFFFFFF70];
	[tilespmem:v4+s23+$0xFFFFFE41 ss:$0x1] =	vst.idx.msk $0xffff, v5;
	v5 =	vmov v14  }
0xb3: {  	v14 =	vld [tilespmem:s13+$0xFFFFFF80];
	[tilespmem:v4+s23+$0xFFFFFE51 ss:$0x1] =	vst.idx.msk $0xffff, v6;
	v6 =	vmov v15  }
0xb4: {  	v15 =	vld [tilespmem:s13+$0xFFFFFF90];
	[tilespmem:v4+s23+$0xFFFFFE61 ss:$0x1] =	vst.idx.msk $0xffff, v7;
	v7 =	vmov v16  }
0xb5: {  	v16 =	vld [tilespmem:s13+$0xFFFFFFA0];
	[tilespmem:v4+s23+$0xFFFFFE71 ss:$0x1] =	vst.idx.msk $0xffff, v8;
	v8 =	vmov v17  }
0xb6: {  	v17 =	vld [tilespmem:s13+$0xFFFFFFB0];
	[tilespmem:v4+s23+$0xFFFFFE80 ss:$0x1] =	vst.idx.msk $0xffff, v11;
	v11 =	vmov v18  }
0xb7: {  	v18 =	vld [tilespmem:s13+$0xFFFFFFC0];
	[tilespmem:v4+s23+$0xFFFFFF71 ss:$0x1] =	vst.idx.msk $0xffff, v12  }
0xb8: {  	v12 =	vld [tilespmem:s13+$0xFFFFFFD0];
	[tilespmem:v4+s23+$0xFFFFFF80 ss:$0x1] =	vst.idx.msk $0xffff, v13;
	s23 =	smov.u32 s8  }
0xb9: {  	v13 =	vld [tilespmem:s7+$0xFFFFFF70];
	[tilespmem:v4+s8+$0xFFFFFE91 ss:$0x1] =	vst.idx.msk $0xffff, v19  }
0xba: {  	[tilespmem:v4+s8+$0xFFFFFEA1 ss:$0x1] =	vst.idx.msk $0xffff, v14;
	v19 =	vld [tilespmem:s13+$0x0]  }
0xbb: {  	[tilespmem:v4+s8+$0xFFFFFEB1 ss:$0x1] =	vst.idx.msk $0xffff, v15;
	v20 =	vld [tilespmem:s13+$0x10]  }
0xbc: {  	[tilespmem:v4+s8+$0xFFFFFEC1 ss:$0x1] =	vst.idx.msk $0xffff, v16;
	v14 =	vld [tilespmem:s13+$0x20]  }
0xbd: {  	[tilespmem:v4+s8+$0xFFFFFED1 ss:$0x1] =	vst.idx.msk $0xffff, v17;
	v15 =	vld [tilespmem:s13+$0x30]  }
.Ltmp0:
0xbe: {  	[tilespmem:v4+s8+$0xFFFFFEE1 ss:$0x1] =	vst.idx.msk $0xffff, v18;
	v16 =	vld [tilespmem:s13+$0x40];
	(pc) =	sbr.rel @p0 .LBB2_3-.Ltmp0, $4  }
0xbf: {  	[tilespmem:v4+s8+$0xFFFFFEF1 ss:$0x1] =	vst.idx.msk $0xffff, v12;
	v17 =	vld [tilespmem:s13+$0x50]  }
0xc0: {  	[tilespmem:v4+s8+$0xFFFFFF00 ss:$0x1] =	vst.idx.msk $0xffff, v13;
	v12 =	vld [tilespmem:s13+$0x60]  }
0xc1: {  	v13 =	vld [tilespmem:s7+$0x0];
	[tilespmem:v4+s8+$0xFFFFFF11 ss:$0x1] =	vst.idx.msk $0xffff, v19  }
0xc2: {  	v18 =	vld [tilespmem:s13+$0xFFFFFEE0];
	[tilespmem:v4+s8+$0xFFFFFF21 ss:$0x1] =	vst.idx.msk $0xffff, v20;
	s13 =	sadd.s32 $0x240, s13  }
0xc3: {  	_ =	sdelay $0x3  }
0xc4: {  	[tilespmem:v4+s8+$0xFFFFFF31 ss:$0x1] =	vst.idx.msk $0xffff, v14  }
0xc5: {  	[tilespmem:v4+s8+$0xFFFFFF41 ss:$0x1] =	vst.idx.msk $0xffff, v15  }
0xc6: {  	[tilespmem:v4+s8+$0xFFFFFF51 ss:$0x1] =	vst.idx.msk $0xffff, v16  }
0xc7: {  	[tilespmem:v4+s8+$0xFFFFFF61 ss:$0x1] =	vst.idx.msk $0xffff, v17  }
0xc8: {  	[tilespmem:v4+s8+$0xFFFFFE11 ss:$0x1] =	vst.idx.msk $0xffff, v18  }
0xc9: {  	[tilespmem:v4+s23+$0xFFFFFF71 ss:$0x1] =	vst.idx.msk $0xffff, v12  }
0xca: {  	[tilespmem:v4+s8+$0xFFFFFE21 ss:$0x1] =	vst.idx.msk $0xffff, v9  }
0xcb: {  	[tilespmem:v4+s23+$0xFFFFFF80 ss:$0x1] =	vst.idx.msk $0xffff, v13  }
0xcc: {  	[tilespmem:v4+s23+$0xFFFFFE31 ss:$0x1] =	vst.idx.msk $0xffff, v10  }
0xcd: {  	[tilespmem:v4+s23+$0xFFFFFE41 ss:$0x1] =	vst.idx.msk $0xffff, v5  }
0xce: {  	[tilespmem:v4+s23+$0xFFFFFE51 ss:$0x1] =	vst.idx.msk $0xffff, v6  }
0xcf: {  	s7 =	ssub.s32 s0, s18;
	[tilespmem:v4+s23+$0xFFFFFE61 ss:$0x1] =	vst.idx.msk $0xffff, v7  }
0xd0: {  	s18 =	sadd.s32 $0xFFFFFFFF, s0;
	s7 =	sshll.u32 s7, $0x2;
	[tilespmem:v4+s23+$0xFFFFFE71 ss:$0x1] =	vst.idx.msk $0xffff, v8  }
0xd1: {  	s0 =	sand.u32 $0x7, s18;
	[tilespmem:v4+s23+$0xFFFFFE80 ss:$0x1] =	vst.idx.msk $0xffff, v11;
	s23 =	sadd.s32 $0x1BC, s7  }
0xd2: {  	s0 =	sshll.u32 s0, $0x2;
	s7 =	sand.u32 $0xFFFFFFE0, s7;
	s8 =	sand.u32 $0xFFFFFFE0, s23  }
0xd3: {  	s6 =	sor.u32 s6, s7;
	s0 =	sor.u32 s0, s8  }
0xd4: {  	s6 =	ssub.s32 s6, s17;
	s0 =	ssub.s32 s0, s17  }
0xd5: {  	s6 =	sshra.s32 s6, $0x2;
	s0 =	sshra.s32 s0, $0x2  }
0xd6: {  	v4 =	vmov s16;
	s7 =	simm.s32 $0x0;
	s6 =	sadd.s32 s6, s25;
	s0 =	sadd.s32 s0, s25  }
.LBB2_5:
0xd7: {  	v5 =	vld [tilespmem:s6+$0x0]  }
0xd8: {  	v6 =	vld [tilespmem:s6+$0x10]  }
0xd9: {  	v7 =	vld [tilespmem:s6+$0x20]  }
0xda: {  	v8 =	vld [tilespmem:s6+$0x30]  }
0xdb: {  	v9 =	vld [tilespmem:s6+$0x40]  }
0xdc: {  	v10 =	vld [tilespmem:s6+$0x50]  }
0xdd: {  	v11 =	vld [tilespmem:s6+$0x60];
	s8 =	sshra.s32 s7, $0x2  }
0xde: {  	v12 =	vld [tilespmem:s0+$0x0];
	[tilespmem:v4+s8+$0x3E00 ss:$0x1] =	vst.idx.msk $0xffff, v5  }
0xdf: {  	[tilespmem:v4+s8+$0x3E10 ss:$0x1] =	vst.idx.msk $0xffff, v6  }
0xe0: {  	p0 =	sne.s32 s7, $0x400;
	[tilespmem:v4+s8+$0x3E20 ss:$0x1] =	vst.idx.msk $0xffff, v7  }
.Ltmp1:
0xe1: {  	[tilespmem:v4+s8+$0x3E30 ss:$0x1] =	vst.idx.msk $0xffff, v8;
	(pc) =	sbr.rel @p0 .LBB2_5-.Ltmp1, $4  }
0xe2: {  	[tilespmem:v4+s8+$0x3E40 ss:$0x1] =	vst.idx.msk $0xffff, v9  }
0xe3: {  	[tilespmem:v4+s8+$0x3E50 ss:$0x1] =	vst.idx.msk $0xffff, v10  }
0xe4: {  	[tilespmem:v4+s8+$0x3E60 ss:$0x1] =	vst.idx.msk $0xffff, v11  }
0xe5: {  	s0 =	sadd.s32 $0x90, s0;
	s6 =	sadd.s32 $0x90, s6;
	s7 =	sadd.s32 $0x200, s7;
	[tilespmem:v4+s8+$0x3E6F ss:$0x1] =	vst.idx.msk $0xffff, v12  }
0xe6: {  	p0 =	sgt.u32 s28, $0x1C  }
0xe7: {  	s0 =	sadd.s32 @!p0 s28, s11  }
0xe8: {  	s6 =	sshrl.u32 @!p0 s0, $0x6  }
0xe9: {  	s7 =	sadd.s32 s3, s28;
	s8 =	sshll.u32 @!p0 s6, $0x1  }
0xea: {  	s7 =	smul.u32 $0x3F80, s7;
	v4 =	vmov @!p0 s8  }
0xeb: {  	v4 =	vbroadcast @!p0 v4, $0x0  }
0xec: {  	s7 =	sadd.s32 s10, s7;
	s8 =	sshllo.u32 @!p0 s6, $0x1  }
0xed: {  	s7 =	sshrl.u32 s7, $0x3;
	v5 =	vmov @!p0 s8  }
0xee: {  	s30 =	sadd.s32 $0x4, s30;
	s7 =	sadd.s32 s2, s7  }
0xef: {  	[hbm4b:s7+s4] =	stream.linear.scatter [tilespmem:s1], [sflag:s30], $0x3F80, $0x38;
	[tilespmem:$0x194F0] =	vst v63  }
0xf0: {  	s1 =	simm.s32 @!p0 $0x0  }
0xf1: {  	v4 =	vld.idx.msk @!p0 [tilespmem:v4+s1+$0x0], $0xffff  }
0xf2: {  	v5 =	vld.idx.msk @!p0 [tilespmem:v5+s1+$0x0], $0xffff;
	_ =	sdelay $0x3  }
0xf3: {  	v4 =	vxor.u32 @!p0 $0x80000000, v4  }
0xf4: {  	(xrf0) =	vmax.scan.msk.u32 @!p0 $0xffff, v4;
	v4 =	vxor.u32 @!p0 $0x80000000, v5  }
0xf5: {  	(xrf0) =	vmax.scan.msk.u32 @!p0 $0xffff, v4;
	_ =	sdelay $0x4  }
0xf6: {  	v4, _, _ =	vpop @!p0 (xrf0)  }
0xf7: {  	(v2sf) =	vpush @!p0 v4, $0xF;
	v4, _, _ =	vpop @!p0 (xrf0)  }
0xf8: {  	(v2sf) =	vpush @!p0 v4, $0xF;
	_ =	sdelay $0xd  }
0xf9: {  	s1 =	spop @!p0 (v2sf)  }
0xfa: {  	s7 =	spop @!p0 (v2sf)  }
0xfb: {  	s8 =	sxor.u32 @!p0 $0x80000000, s7  }
0xfc: {  	p1 =	sgt.s32 @!p0 s7, $0xFFFFFFFF;
	s7 =	sand.u32 @!p0 $0xF, s7;
	p2 =	slt.s32 @!p0 s8, $0x1  }
0xfd: {  	p1 =	por @!p0 p1, p2;
	p2 =	sne.s32 @!p0 s7, $0x0  }
0xfe: {  	s7 =	sshra.s32 @!p0 s8, $0x1F;
	p1 =	por @!p0 !p2, !p1  }
0xff: {  	s7 =	sshrl.u32 @!p0 s7, $0x1C;
	p1 =	por @!p0 !p1, !p1  }
0x100: {  	s7 =	sadd.s32 @!p0 s7, s8;
	s8 =	simm.s32 @!p0 $0x1;
	p1 =	por !p1, p0  }
0x101: {  	s7 =	sshrl.u32 @!p0 s7, $0x4;
	s8 =	simm.s32 @p1 $0x0  }
0x102: {  	s7 =	ssub.s32 @!p0 s7, s8  }
0x103: {  	s0 =	sshll.u32 @!p0 s0, $0x12;
	s7 =	sshll.u32 @!p0 s7, $0x4  }
0x104: {  	s0 =	sand.u32 @!p0 $0xFC0000, s0;
	s6 =	sshll.u32 @!p0 s6, $0x18;
	p1 =	slt.s32 @!p0 s7, $0x170  }
0x105: {  	s0 =	sor.u32 @!p0 s0, s6;
	s1 =	sshll.u32 @!p0 s1, $0x9;
	p1 =	por !p1, p0  }
0x106: {  	s0 =	sadd.s32 @!p0 s1, s0;
	s7 =	simm.s32 @p1 $0x170  }
0x107: {  	s0 =	sadd.s32 @!p0 s7, s0  }
0x108: {  	s28 =	sadd.s32 $0x1, s28;
	s0 =	sshrl.u32 @!p0 s0, $0x3  }
0x109: {  	s6 =	simm.s32 @!p0 $0x200;
	s1 =	simm.s32 @!p0 $0x90;
	s0 =	sadd.s32 @!p0 s5, s0  }
0x10a: {  	[tilespmem:s31], [sflag:s29] =	stream.strided.gather @!p0 [hbm4b:s0+s1], $0x4770, s6, s1, $0x38;
	[tilespmem:$0x194F0] =	vst v63  }
0x10b: {  	p0 =	sne.s32 s28, $0x20  }
.Ltmp2:
0x10c: {  	_ = 	snop;
	(pc) =	sbr.rel @p0 .LBB2_2-.Ltmp2, $3  }
0x10d: {  	_ =	sdelay $0x1  }
0x10e: {  	s9 =	sadd.s32 $0x3F80, s9  }
0x10f: {  	s24 =	sadd.s32 $0x4770, s24;
	s25 =	sadd.s32 $0x4770, s25;
	s26 =	sadd.s32 $0x3F80, s26  }
0x110: {  	_ =	swait.ge [sflag:s19], $0x3F80  }
0x111: {  	[sflag:s19] =	ssyncset.done $0x0  }
0x112: {  	[sflag:s19] =	ssyncadd.s32 $0xFFFFC080  }
0x113: {  	_ =	swait.ge [sflag:s20], $0x3F80  }
0x114: {  	[sflag:s20] =	ssyncset.done $0x0  }
0x115: {  	[sflag:s20] =	ssyncadd.s32 $0xFFFFC080  }
0x116: {  	_ =	swait.ge [sflag:s21], $0x3F80  }
0x117: {  	s22 =	sadd.s32 $0x1, s22;
	s0 =	rddreg [dreg:$0x7]  }
0x118: {  	p0 =	sne.s32 s22, s0  }
.Ltmp3:
0x119: {  	_ = 	snop;
	(pc) =	sbr.rel @p0 .LBB2_1-.Ltmp3, $3  }
0x11a: {  	_ =	sdelay $0x1  }
0x11b: {  	[sflag:s21] =	ssyncset.done $0x0  }
0x11c: {  	[sflag:s21] =	ssyncadd.s32 $0xFFFFC080  }
0x11d: {  	_ =	sfence.sel $0x180000  }
0x11e: {  	[bflag:$0x0] =	sbarrier.arrive $0xFFFF  }
0x11f: {  	_ =	strace $0x9000004A  }
0x120: {  	s0 =	stileid.u32;
	[bflag:$0x2] =	sbarrier.arrive $0xFFFF  }
0x121: {  	p0 =	sne.s32 s0, $0x0;
	s0 =	rddreg [dreg:$0x2]  }
0x122: {  	s0 =	sadd.s32 @!p0 $0x100000, s0  }
0x123: {  	[sflag:s0] =	ssyncadd.tile.s32 @!p0 $0x1;
	_ =	shalt  }
.Lfunc_end2:
_tile_overlayer_lowered:
.L_overlay_start_2:
0x124: {  	(tag) =	ssettag $0x2  }
0x125: {  	s0 =	rddreg [dreg:$0x0];
	s2 =	stileid.u32  }
0x126: {  	s1 =	rddreg [dreg:$0x1];
	p0 =	sne.s32 s2, $0x0  }
0x127: {  	s3 =	rddreg [dreg:$0x2];
	[bflag:$0x3] =	sbarrier.arrive $0xFFFF;
	s2 =	simm.s32 @!p0 $0x1C07  }
0x128: {  	[timem:s3], [sflag:s2] =	dma.local @!p0 [hbm:s0], s1  }
0x129: {  	s0 =	simm.s32 @!p0 $0x7  }
0x12a: {  	_ =	swait.ge @!p0 [sflag:s0], s1  }
0x12b: {  	s1 =	ssub.s32 @!p0 $0x0, s1;
	[sflag:s0] =	ssyncset.done @!p0 $0x0  }
0x12c: {  	[sflag:s0] =	ssyncadd.s32 @!p0 s1  }
0x12d: {  	[bflag:$0x3] =	sbarrier.arrive $0xFFFF  }
0x12e: {  	_ =	shalt  }

// kernel: sparse-core-data-format-call.1.cloned.1.call-start
scs
called_computation.1_lowered:
.L_overlay_start_0:
0x0: {  	s2 =	sld [smem:$0x3FD9]  }
0x1: {  	s3 =	sld [smem:$0x3FFE];
	_ =	sdelay $0x1  }
0x2: {  	s1 =	srdreg.scid  }
0x3: {  	s0 =	sand.u32 $0x1, s1  }
0x4: {  	s18 =	sshll.u32 s0, $0xA;
	s2 =	sadd.s32 s3, s2  }
0x5: {  	s2 =	sadd.s32 s2, s18  }
0x6: {  	[smem:$0x3FC6] =	sst s2  }
0x7: {  	_ = 	snop  }
0x8: {  	s2 =	sld [smem:$0x3FC9];
	(tm) =	ssettm $0x1  }
0x9: {  	s19 =	sld [smem:$0x3FFB];
	_ =	sdelay $0x3  }
0xa: {  	_ =	strace s19  }
0xb: {  	s3 =	sld [smem:$0x3FFC];
	_ =	sdelay $0x3  }
0xc: {  	_ =	strace s3  }
0xd: {  	s3 =	sld [smem:$0x3FFD];
	_ =	sdelay $0x3  }
0xe: {  	_ =	strace s3  }
0xf: {  	_ =	strace $0x8FFFFFFF  }
0x10: {  	s20 =	sld [smem:$0x3FDB];
	_ =	sdelay $0x1  }
0x11: {  	s4 =	simm.s32 $_scs_section_size  }
0x12: {  	s5 =	simm.s32 $_size__tile_overlayer_lowered;
	s6 =	simm.s32 $_tile_overlayer_lowered  }
0x13: {  	s23 =	simm.s32 $0x1BFF;
	s22 =	sshll.u32 s6, $0x1;
	s3 =	sadd.s32 s4, s20  }
0x14: {  	s7 =	simm.s32 $0x0;
	s21 =	sshll.u32 s5, $0x1;
	s5 =	sadd.s32 s22, s3  }
0x15: {  	[timem:s7], [sflag:s23] =	dma.local [hbm:s5], s21  }
0x16: {  	_ =	swait.ge [sflag:s23], s21  }
0x17: {  	s4 =	ssub.s32 $0x0, s21;
	[sflag:s23] =	ssyncset.done $0x0  }
0x18: {  	[sflag:s23] =	ssyncadd.s32 s4;
	_ =	sdelay $0x1  }
0x19: {  	s24 =	simm.s32 $0x1B8B  }
0x1a: {  	_ =	swait.ge [sflag:s24], $0x1  }
0x1b: {  	[sflag:s24] =	ssyncset.done $0x0  }
0x1c: {  	s26 =	simm.s32 $0x1B8E;
	s25 =	sld [smem:$0x3FFE];
	[sflag:s24] =	ssyncadd.s32 $0xFFFFFFFF  }
0x1d: {  	s27 =	simm.s32 $execute0_lowered;
	[smem:$0x3FD2] =	sst s26  }
0x1e: {  	s5 =	sshll.u32 s27, $0x1;
	_ =	strace $0x80000046;
	[dreg:$0x1] =	wrdreg $0xFFFFFFFF  }
0x1f: {  	s28 =	simm.s32 $_size_execute0_lowered;
	s3 =	sadd.s32 s3, s5;
	[dreg:$0x0] =	wrdreg $0x0  }
0x20: {  	s5 =	sshll.u32 s28, $0x1;
	[dreg:$0x2] =	wrdreg s3  }
0x21: {  	[dreg:$0x3] =	wrdreg s5  }
0x22: {  	[dreg:$0x4] =	wrdreg $0xC0  }
0x23: {  	_ =	task [dreg:s7], $0x5FFFF  }
0x24: {  	[dreg:$0x1] =	wrdreg $0xFFFFFFFF  }
0x25: {  	[dreg:$0x0] =	wrdreg $0x60  }
0x26: {  	[dreg:$0x2] =	wrdreg s2  }
0x27: {  	[dreg:$0x3] =	wrdreg s25  }
0x28: {  	[dreg:$0x4] =	wrdreg $0x9  }
0x29: {  	_ =	task.clear_ibuf [dreg:s7], $0x5FFFF;
	_ =	strace $0x90000046  }
0x2a: {  	s29 =	simm.s32 $0x9;
	_ =	strace $0x80000048  }
0x2b: {  	_ =	swait.ge [sflag:s29], $0x1  }
0x2c: {  	[sflag:s29] =	ssyncadd.s32 $0xFFFFFFFF  }
0x2d: {  	_ =	strace $0x90000048  }
0x2e: {  	_ =	sfence  }
0x2f: {  	s30 =	sld [smem:$0x0];
	_ =	sdelay $0x2  }
0x30: {  	s31 =	sshll.u32 s1, $0xD;
	s1 =	sshrl.u32 s1, $0x2  }
0x31: {  	s3 =	sand.u32 $0x4000, s31;
	s1 =	sadd.s32 s1, s30  }
0x32: {  	s0 =	sor.u32 s3, s0;
	s1 =	sshll.u32 s1, $0x11  }
0x33: {  	s0 =	sor.u32 s1, s0  }
0x34: {  	s0 =	sadd.s32 $0x8F2B, s0  }
0x35: {  	[sflag:s0] =	ssyncadd.remote.s32 $0x1  }
0x36: {  	_ =	sfence.sel $0xFFFF  }
0x37: {  	[dreg:$0x0] =	wrdreg $0xFFFFFFFF;
	(pc) =	sbr.abs _section_cstart, $3  }
0x38: {  	[dreg:$0x1] =	wrdreg $0xFFFFFFFF  }
0x39: {  	_ =	task.clear_ibuf [dreg:s7], $0x2FFFF;
	_ =	strace $0x9FFFFFFF  }
0x3a: {  	(tm) =	ssettm $0x7FFFFFFF  }
0x3b: {  	_ =	shalt  }
tec
execute0_lowered:
.L_overlay_start_1:
0x0: {  	(tag) =	ssettag $0x1  }
0x1: {  	s0 =	srdreg.scid  }
0x2: {  	s1 =	sshll.u32 s0, $0x4  }
0x3: {  	s2 =	rddreg [dreg:$0x0];
	s0 =	stileid.u32;
	s1 =	sand.u32 $0x10, s1  }
0x4: {  	s4 =	rddreg [dreg:$0x1];
	s7 =	simm.s32 $0x1;
	s1 =	sor.u32 s0, s1  }
0x5: {  	s8 =	simm.s32 $0x2;
	s9 =	simm.s32 $0x0;
	s3 =	sshll.u32 s1, $0x2  }
0x6: {  	s12 =	simm.s32 $0x0;
	s11 =	simm.s32 $0x0;
	s6 =	ssub.s32 $0x10000, s3  }
.Ltmp0:
0x7: {  	s4 =	sadd.s32 $0xE00, s4;
	s5 =	sand.u32 $0x7C, s6;
	(pc) =	sbr.rel .LBB1_1-.Ltmp0, $4  }
0x8: {  	s1 =	rddreg [dreg:$0x2];
	_ =	strace $0x80000047;
	p0 =	sne.s32 s5, $0x0  }
0x9: {  	s6 =	sshrl.u32 s6, $0x7;
	s5 =	simm.s32 $0x1;
	s7 =	simm.s32 @!p0 $0x0  }
0xa: {  	s10 =	smov.u32 s3;
	[sflag:s5] =	ssyncpa.u1 $0x0;
	s6 =	sadd.s32 s7, s6  }
0xb: {  	[sflag:s8] =	ssyncpa.u1 $0x0;
	s8 =	simm.s32 $0x0;
	s7 =	sadd.s32 $0x1, s6  }
.LBB1_9:
0xc: {  	s14 =	sadd.s32 $0x80, s10  }
0xd: {  	p1 =	sgt.s32 s14, $0xFFFF  }
0xe: {  	s14 =	smov.u32 @p1 s3;
	p1 =	sne.s32 s11, s7  }
.Ltmp1:
0xf: {  	p0 =	slt.u32 s11, $0x2;
	(pc) =	sbr.rel @!p1 .LBB1_10-.Ltmp1, $4  }
0x10: {  	s13 =	simm.s32 @!p0 $0x2  }
0x11: {  	s15 =	sadd.s32 $0x1, s11;
	_ =	swait.ge @!p0 [sflag:s13], $0x4000  }
0x12: {  	s12 =	smov.u32 s10;
	s9 =	sadd.s32 $0x4000, s9;
	[sflag:s13] =	ssyncset.done @!p0 $0x0  }
0x13: {  	s11 =	smov.u32 s15;
	s10 =	smov.u32 s14;
	[sflag:s13] =	ssyncadd.s32 @!p0 $0xFFFFC000  }
.LBB1_1:
0x14: {  	p0 =	sge.u32 s11, s6  }
0x15: {  	s13 =	sxor.u32 @!p0 $0xFFFFFFFF, s11  }
0x16: {  	s31 =	sadd.s32 $0xFFFFFFFF, s11;
	s14 =	sshll.u32 @!p0 s10, $0x9;
	s13 =	sshll.u32 @!p0 s13, $0xE  }
0x17: {  	s15 =	simm.s32 @!p0 $0x0;
	s14 =	sadd.s32 @!p0 s2, s14;
	s13 =	sand.u32 @!p0 $0x4000, s13  }
0x18: {  	[tilespmem:s13], [sflag:$0x1] =	stream.linear.gather @!p0 [hbm4b:s14+s15], $0x4000, $0x38;
	[tilespmem:$0x10000] =	vst v63  }
0x19: {  	p0 =	sge.u32 s31, s6  }
.Ltmp2:
0x1a: {  	_ = 	snop;
	(pc) =	sbr.rel @p0 .LBB1_9-.Ltmp2, $1  }
0x1b: {  	_ =	sdelay $0x3  }
0x1c: {  	s14 =	sand.u32 $0x4000, s9  }
0x1d: {  	_ =	swait.ge [sflag:s5], $0x4000;
	s15 =	sshll.u32 s11, $0xE;
	s16 =	simm.s32 $0x0  }
0x1e: {  	s13 =	sor.u32 $0x40, s14;
	[sflag:s5] =	ssyncset.done $0x0;
	s15 =	sand.u32 $0x4000, s15  }
0x1f: {  	s14 =	sor.u32 $0x8040, s14;
	[sflag:s5] =	ssyncadd.s32 $0xFFFFC000;
	s15 =	sor.u32 $0x8000, s15  }
.LBB1_3:
0x20: {  	s17 =	smov.u32 s14;
	s18 =	smov.u32 s13;
	s19 =	simm.s32 $0x0  }
.LBB1_4:
0x21: {  	v0 =	vmov s17;
	v2 =	vld [tilespmem:s18+$0x30]  }
0x22: {  	v4 =	vld [tilespmem:s18+$0xFFFFFFD0]  }
0x23: {  	v6 =	vld [tilespmem:s18+$0xFFFFFFE0]  }
0x24: {  	v7 =	vld [tilespmem:s18+$0xFFFFFFF0]  }
0x25: {  	s20 =	simm.s32 $0x0;
	v1 =	vld [tilespmem:s18+$0x0]  }
0x26: {  	v3 =	vld [tilespmem:s18+$0x10];
	[tilespmem:v0+s20+$0x30 ss:$0x1] =	vst.idx.msk $0xffff, v2  }
0x27: {  	v5 =	vld [tilespmem:s18+$0x20];
	[tilespmem:v0+s20+$0xFFFFFFD0 ss:$0x1] =	vst.idx.msk $0xffff, v4  }
0x28: {  	s21 =	sadd.s32 $0x80, s18;
	v2 =	vld [tilespmem:s18+$0xFFFFFFC0];
	[tilespmem:v0+s20+$0xFFFFFFE0 ss:$0x1] =	vst.idx.msk $0xffff, v6  }
0x29: {  	s22 =	simm.s32 $0x800;
	s23 =	simm.s32 $0x1000;
	v4 =	vld [tilespmem:s21+$0x30];
	[tilespmem:v0+s20+$0xFFFFFFF0 ss:$0x1] =	vst.idx.msk $0xffff, v7  }
.LBB1_5:
0x2a: {  	p0 =	sne.s32 s23, $0x3800;
	v6 =	vld [tilespmem:s21+$0xFFFFFFD0];
	[tilespmem:v0+s20+$0x0 ss:$0x1] =	vst.idx.msk $0xffff, v1  }
0x2b: {  	v7 =	vld [tilespmem:s21+$0xFFFFFFE0];
	[tilespmem:v0+s20+$0x10 ss:$0x1] =	vst.idx.msk $0xffff, v3  }
0x2c: {  	v8 =	vld [tilespmem:s21+$0xFFFFFFF0];
	[tilespmem:v0+s20+$0x20 ss:$0x1] =	vst.idx.msk $0xffff, v5  }
.Ltmp3:
0x2d: {  	v1 =	vld [tilespmem:s21+$0x0];
	[tilespmem:v0+s20+$0xFFFFFFC0 ss:$0x1] =	vst.idx.msk $0xffff, v2;
	s20 =	sshra.s32 s22, $0x2;
	s22 =	smov.u32 s23;
	(pc) =	sbr.rel @p0 .LBB1_5-.Ltmp3, $4  }
0x2e: {  	v3 =	vld [tilespmem:s21+$0x10];
	[tilespmem:v0+s20+$0x30 ss:$0x1] =	vst.idx.msk $0xffff, v4  }
0x2f: {  	[tilespmem:v0+s20+$0xFFFFFFD0 ss:$0x1] =	vst.idx.msk $0xffff, v6;
	v5 =	vld [tilespmem:s21+$0x20]  }
0x30: {  	v2 =	vld [tilespmem:s21+$0xFFFFFFC0];
	[tilespmem:v0+s20+$0xFFFFFFE0 ss:$0x1] =	vst.idx.msk $0xffff, v7;
	s21 =	sadd.s32 $0x80, s21  }
0x31: {  	s23 =	sadd.s32 $0x800, s23;
	v4 =	vld [tilespmem:s21+$0x30];
	[tilespmem:v0+s20+$0xFFFFFFF0 ss:$0x1] =	vst.idx.msk $0xffff, v8  }
0x32: {  	_ =	sdelay $0x3  }
0x33: {  	v6 =	vld [tilespmem:s21+$0xFFFFFFD0];
	[tilespmem:v0+s20+$0x0 ss:$0x1] =	vst.idx.msk $0xffff, v1  }
0x34: {  	v58 =	vld [tilespmem:s21+$0xFFFFFFE0];
	[tilespmem:v0+s20+$0x10 ss:$0x1] =	vst.idx.msk $0xffff, v3  }
0x35: {  	v59 =	vld [tilespmem:s21+$0xFFFFFFF0];
	[tilespmem:v0+s20+$0x20 ss:$0x1] =	vst.idx.msk $0xffff, v5  }
0x36: {  	s22 =	sshra.s32 s22, $0x2;
	v60 =	vld [tilespmem:s21+$0x0];
	[tilespmem:v0+s20+$0xFFFFFFC0 ss:$0x1] =	vst.idx.msk $0xffff, v2  }
0x37: {  	v61 =	vld [tilespmem:s21+$0x10];
	[tilespmem:v0+s22+$0x30 ss:$0x1] =	vst.idx.msk $0xffff, v4  }
0x38: {  	v62 =	vld [tilespmem:s21+$0x20];
	s19 =	sadd.s32 $0x1, s19;
	[tilespmem:v0+s22+$0xFFFFFFD0 ss:$0x1] =	vst.idx.msk $0xffff, v6  }
0x39: {  	v63 =	vld [tilespmem:s21+$0xFFFFFFC0];
	p0 =	sne.s32 s19, $0x4;
	[tilespmem:v0+s22+$0xFFFFFFE0 ss:$0x1] =	vst.idx.msk $0xffff, v58  }
.Ltmp4:
0x3a: {  	[tilespmem:v0+s22+$0xFFFFFFF0 ss:$0x1] =	vst.idx.msk $0xffff, v59;
	(pc) =	sbr.rel @p0 .LBB1_4-.Ltmp4, $4  }
0x3b: {  	[tilespmem:v0+s22+$0x0 ss:$0x1] =	vst.idx.msk $0xffff, v60  }
0x3c: {  	[tilespmem:v0+s22+$0x10 ss:$0x1] =	vst.idx.msk $0xffff, v61  }
0x3d: {  	[tilespmem:v0+s22+$0x20 ss:$0x1] =	vst.idx.msk $0xffff, v62  }
0x3e: {  	s18 =	sadd.s32 $0x400, s18;
	s17 =	sadd.s32 $0x80, s17;
	[tilespmem:v0+s22+$0xFFFFFFC0 ss:$0x1] =	vst.idx.msk $0xffff, v63  }
0x3f: {  	s16 =	sadd.s32 $0x1, s16  }
0x40: {  	p0 =	sne.s32 s16, $0x4  }
.Ltmp5:
0x41: {  	_ = 	snop;
	(pc) =	sbr.rel @p0 .LBB1_3-.Ltmp5, $2  }
0x42: {  	_ =	sdelay $0x2  }
0x43: {  	s13 =	sadd.s32 $0x1000, s13;
	s14 =	sadd.s32 $0x1000, s14  }
.Ltmp6:
0x44: {  	(pc) =	sbr.rel .LBB1_9-.Ltmp6, $4  }
0x45: {  	_ = 	snop  }
0x46: {  	s12 =	sshll.u32 s12, $0x9  }
0x47: {  	s12 =	sadd.s32 s4, s12  }
0x48: {  	[hbm4b:s12+s8] =	stream.linear.scatter [tilespmem:s15], [sflag:$0x2], $0x4000, $0x38;
	[tilespmem:$0x10000] =	vst v63  }
.LBB1_10:
0x49: {  	_ =	sfence.sel $0x180000  }
0x4a: {  	s2 =	simm.s32 $0x1;
	[bflag:$0x0] =	sbarrier.arrive $0xFFFF  }
0x4b: {  	s31 =	simm.s32 $0x2;
	[sflag:s2] =	ssyncpa.u1 $0x1  }
0x4c: {  	[sflag:s31] =	ssyncpa.u1 $0x1  }
0x4d: {  	p0 =	sne.s32 s0, $0x0;
	_ =	strace $0x90000047  }
0x4e: {  	s0 =	sadd.s32 @!p0 $0x100000, s1;
	[bflag:$0x2] =	sbarrier.arrive $0xFFFF  }
0x4f: {  	[sflag:s0] =	ssyncadd.tile.s32 @!p0 $0x1;
	_ =	shalt  }
.Lfunc_end1:
_tile_overlayer_lowered:
.L_overlay_start_2:
0x50: {  	(tag) =	ssettag $0x2  }
0x51: {  	s0 =	rddreg [dreg:$0x0];
	s2 =	stileid.u32  }
0x52: {  	s1 =	rddreg [dreg:$0x1];
	p0 =	sne.s32 s2, $0x0  }
0x53: {  	s3 =	rddreg [dreg:$0x2];
	[bflag:$0x3] =	sbarrier.arrive $0xFFFF;
	s2 =	simm.s32 @!p0 $0x1C01  }
0x54: {  	[timem:s3], [sflag:s2] =	dma.local @!p0 [hbm:s0], s1  }
0x55: {  	s0 =	simm.s32 @!p0 $0x1  }
0x56: {  	_ =	swait.ge @!p0 [sflag:s0], s1  }
0x57: {  	s1 =	ssub.s32 @!p0 $0x0, s1;
	[sflag:s0] =	ssyncset.done @!p0 $0x0  }
0x58: {  	[sflag:s0] =	ssyncadd.s32 @!p0 s1  }
0x59: {  	[bflag:$0x3] =	sbarrier.arrive $0xFFFF  }
0x5a: {  	_ =	shalt  }

// kernel: sparse-core-data-format-call.cloned.1.call-start
scs
called_computation_lowered:
.L_overlay_start_0:
0x0: {  	s2 =	sld [smem:$0x3FD9]  }
0x1: {  	s3 =	sld [smem:$0x3FFE];
	_ =	sdelay $0x1  }
0x2: {  	s1 =	srdreg.scid  }
0x3: {  	s0 =	sand.u32 $0x1, s1  }
0x4: {  	s18 =	sshll.u32 s0, $0xA;
	s2 =	sadd.s32 s3, s2  }
0x5: {  	s2 =	sadd.s32 s2, s18  }
0x6: {  	[smem:$0x3FC6] =	sst s2  }
0x7: {  	_ = 	snop  }
0x8: {  	s2 =	sld [smem:$0x3FD0];
	(tm) =	ssettm $0x1  }
0x9: {  	s19 =	sld [smem:$0x3FFB];
	_ =	sdelay $0x3  }
0xa: {  	_ =	strace s19  }
0xb: {  	s3 =	sld [smem:$0x3FFC];
	_ =	sdelay $0x3  }
0xc: {  	_ =	strace s3  }
0xd: {  	s3 =	sld [smem:$0x3FFD];
	_ =	sdelay $0x3  }
0xe: {  	_ =	strace s3  }
0xf: {  	_ =	strace $0x8FFFFFFF  }
0x10: {  	s20 =	sld [smem:$0x3FDB];
	_ =	sdelay $0x1  }
0x11: {  	s4 =	simm.s32 $_scs_section_size  }
0x12: {  	s5 =	simm.s32 $_size__tile_overlayer_lowered;
	s6 =	simm.s32 $_tile_overlayer_lowered  }
0x13: {  	s23 =	simm.s32 $0x1BFF;
	s22 =	sshll.u32 s6, $0x1;
	s3 =	sadd.s32 s4, s20  }
0x14: {  	s7 =	simm.s32 $0x0;
	s21 =	sshll.u32 s5, $0x1;
	s5 =	sadd.s32 s22, s3  }
0x15: {  	[timem:s7], [sflag:s23] =	dma.local [hbm:s5], s21  }
0x16: {  	_ =	swait.ge [sflag:s23], s21  }
0x17: {  	s4 =	ssub.s32 $0x0, s21;
	[sflag:s23] =	ssyncset.done $0x0  }
0x18: {  	[sflag:s23] =	ssyncadd.s32 s4;
	_ =	sdelay $0x1  }
0x19: {  	s24 =	simm.s32 $0x1B8B  }
0x1a: {  	_ =	swait.ge [sflag:s24], $0x1  }
0x1b: {  	[sflag:s24] =	ssyncset.done $0x0  }
0x1c: {  	s26 =	simm.s32 $0x1B8E;
	s25 =	sld [smem:$0x3FFE];
	[sflag:s24] =	ssyncadd.s32 $0xFFFFFFFF  }
0x1d: {  	s27 =	simm.s32 $execute0_lowered;
	[smem:$0x3FD2] =	sst s26  }
0x1e: {  	s5 =	sshll.u32 s27, $0x1;
	_ =	strace $0x8000004C;
	[dreg:$0x1] =	wrdreg $0xFFFFFFFF  }
0x1f: {  	s28 =	simm.s32 $_size_execute0_lowered;
	s3 =	sadd.s32 s3, s5;
	[dreg:$0x0] =	wrdreg $0x0  }
0x20: {  	s5 =	sshll.u32 s28, $0x1;
	[dreg:$0x2] =	wrdreg s3  }
0x21: {  	[dreg:$0x3] =	wrdreg s5  }
0x22: {  	[dreg:$0x4] =	wrdreg $0xC0  }
0x23: {  	_ =	task [dreg:s7], $0x5FFFF  }
0x24: {  	[dreg:$0x1] =	wrdreg $0xFFFFFFFF  }
0x25: {  	[dreg:$0x0] =	wrdreg $0x60  }
0x26: {  	[dreg:$0x2] =	wrdreg s25  }
0x27: {  	[dreg:$0x3] =	wrdreg s2  }
0x28: {  	[dreg:$0x4] =	wrdreg $0x9  }
0x29: {  	_ =	task.clear_ibuf [dreg:s7], $0x5FFFF;
	_ =	strace $0x9000004C  }
0x2a: {  	s29 =	simm.s32 $0x9;
	_ =	strace $0x8000004E  }
0x2b: {  	_ =	swait.ge [sflag:s29], $0x1  }
0x2c: {  	[sflag:s29] =	ssyncadd.s32 $0xFFFFFFFF  }
0x2d: {  	_ =	strace $0x9000004E  }
0x2e: {  	_ =	sfence  }
0x2f: {  	s30 =	sld [smem:$0x0];
	_ =	sdelay $0x2  }
0x30: {  	s31 =	sshll.u32 s1, $0xD;
	s1 =	sshrl.u32 s1, $0x2  }
0x31: {  	s3 =	sand.u32 $0x4000, s31;
	s1 =	sadd.s32 s1, s30  }
0x32: {  	s0 =	sor.u32 s3, s0;
	s1 =	sshll.u32 s1, $0x11  }
0x33: {  	s0 =	sor.u32 s1, s0  }
0x34: {  	s0 =	sadd.s32 $0x8F2B, s0  }
0x35: {  	[sflag:s0] =	ssyncadd.remote.s32 $0x1  }
0x36: {  	_ =	sfence.sel $0xFFFF  }
0x37: {  	[dreg:$0x0] =	wrdreg $0xFFFFFFFF;
	(pc) =	sbr.abs _section_cstart, $3  }
0x38: {  	[dreg:$0x1] =	wrdreg $0xFFFFFFFF  }
0x39: {  	_ =	task.clear_ibuf [dreg:s7], $0x2FFFF;
	_ =	strace $0x9FFFFFFF  }
0x3a: {  	(tm) =	ssettm $0x7FFFFFFF  }
0x3b: {  	_ =	shalt  }
tec
execute0_lowered:
.L_overlay_start_1:
0x0: {  	(tag) =	ssettag $0x1  }
0x1: {  	s0 =	stileid.u32;
	s7 =	rddreg [dreg:$0x0]  }
0x2: {  	s1 =	srdreg.scid;
	s2 =	rddreg [dreg:$0x1]  }
0x3: {  	s9 =	simm.s32 $0x1F;
	s31 =	simm.s32 $0x2;
	s16 =	simm.s32 $0x0  }
0x4: {  	s10 =	simm.s32 $0xFE000;
	s11 =	simm.s32 $0x0;
	s17 =	simm.s32 $0x0  }
0x5: {  	s18 =	simm.s32 $0x0;
	s1 =	sshll.u32 s1, $0x4;
	s3 =	sshll.u32 s0, $0x1  }
0x6: {  	s13 =	simm.s32 $0x0;
	s4 =	sand.u32 $0x10, s1;
	s3 =	sand.u32 $0xE, s3  }
0x7: {  	s15 =	simm.s32 $0x0;
	s4 =	sor.u32 s0, s4;
	s5 =	ssub.s32 $0x10, s3  }
0x8: {  	s7 =	sadd.s32 $0xE00, s7;
	s4 =	sshrl.u32 s4, $0x3;
	s6 =	sand.u32 $0xE, s5  }
0x9: {  	s8 =	sshrl.u32 s5, $0x4;
	p0 =	sne.s32 s6, $0x0;
	s6 =	simm.s32 $0x1  }
.Ltmp0:
0xa: {  	s6 =	simm.s32 @!p0 $0x0;
	p0 =	seq.s32 s4, $0x3;
	(pc) =	sbr.rel .LBB1_1-.Ltmp0, $4  }
0xb: {  	s1 =	rddreg [dreg:$0x2];
	s6 =	sadd.s32 s6, s8;
	s9 =	simm.s32 @!p0 $0x20  }
0xc: {  	_ =	strace $0x8000004D;
	s5 =	simm.s32 $0x1;
	s6 =	smul.u32 s9, s6  }
0xd: {  	s14 =	smov.u32 s3;
	[sflag:s5] =	ssyncpa.u1 $0x0;
	s12 =	smov.u32 s4  }
0xe: {  	[sflag:s31] =	ssyncpa.u1 $0x0;
	s9 =	simm.s32 $0x2000;
	s8 =	sadd.s32 $0x1, s6  }
.LBB1_7:
0xf: {  	s19 =	sadd.s32 $0x4, s12  }
0x10: {  	s16 =	sadd.s32 $0x40, s13;
	s20 =	smov.u32 s13;
	p1 =	sgt.s32 s19, $0x7E  }
0x11: {  	s20 =	smov.u32 @p1 s16  }
0x12: {  	s22 =	smov.u32 s14;
	s16 =	sadd.s32 $0x10, s14;
	p2 =	sgt.s32 s20, $0x3F  }
0x13: {  	s22 =	smov.u32 @p2 s16  }
0x14: {  	s19 =	smov.u32 @p1 s4;
	p1 =	sgt.s32 s22, $0xF  }
0x15: {  	p0 =	slt.u32 s15, $0x2;
	s22 =	smov.u32 @p1 s3;
	p1 =	sne.s32 s15, s8  }
.Ltmp1:
0x16: {  	s21 =	simm.s32 @!p0 $0x2;
	(pc) =	sbr.rel @!p1 .LBB1_8-.Ltmp1, $4  }
0x17: {  	s17 =	smov.u32 s13;
	s18 =	smov.u32 s14;
	_ =	swait.ge @!p0 [sflag:s21], $0x4000  }
0x18: {  	s11 =	sadd.s32 $0x4000, s11;
	[sflag:s21] =	ssyncset.done @!p0 $0x0;
	s20 =	simm.s32 @p2 $0x0  }
0x19: {  	s16 =	smov.u32 s12;
	[sflag:s21] =	ssyncadd.s32 @!p0 $0xFFFFC000;
	s12 =	smov.u32 s19  }
0x1a: {  	s13 =	smov.u32 s20;
	s15 =	sadd.s32 $0x1, s15;
	s14 =	smov.u32 s22  }
.LBB1_1:
0x1b: {  	p0 =	sge.u32 s15, s6;
	s31 =	sadd.s32 $0xFFFFFFFF, s15  }
0x1c: {  	s19 =	sxor.u32 @!p0 $0xFFFFFFFF, s15;
	s20 =	sshll.u32 @!p0 s14, $0x11;
	s21 =	sshll.u32 @!p0 s13, $0xB  }
0x1d: {  	s22 =	sshll.u32 @!p0 s12, $0x4;
	s19 =	sshll.u32 @!p0 s19, $0xE;
	s20 =	sadd.s32 @!p0 s7, s20  }
0x1e: {  	s22 =	sand.u32 @!p0 $0x7F0, s22;
	s19 =	sand.u32 @!p0 $0x4000, s19;
	s20 =	sadd.s32 @!p0 s21, s20  }
0x1f: {  	s21 =	simm.s32 @!p0 $0x80;
	s20 =	sadd.s32 @!p0 s22, s20;
	s22 =	simm.s32 @!p0 $0x4000  }
0x20: {  	[tilespmem:s19], [sflag:$0x1] =	stream.strided.gather @!p0 [hbm4b:s20+s21], $0x4000, s22, s21, $0x38;
	[tilespmem:$0x10000] =	vst v63  }
0x21: {  	p0 =	sge.u32 s31, s6  }
.Ltmp2:
0x22: {  	_ = 	snop;
	(pc) =	sbr.rel @p0 .LBB1_7-.Ltmp2, $1  }
0x23: {  	_ =	sdelay $0x3  }
0x24: {  	s19 =	sshll.u32 s11, $0x2;
	_ =	swait.ge [sflag:s5], $0x4000;
	s20 =	sshll.u32 s15, $0xE  }
0x25: {  	s22 =	simm.s32 $0x0;
	p1 =	por $0x1, $0x1;
	s21 =	sand.u32 $0x10000, s19  }
0x26: {  	[sflag:s5] =	ssyncset.done $0x0;
	s31 =	sand.u32 $0x4000, s20;
	s20 =	sshrl.u32 s21, $0x2  }
0x27: {  	[sflag:s5] =	ssyncadd.s32 $0xFFFFC000;
	s19 =	sor.u32 $0x8000, s31;
	s21 =	sadd.s32 $0x8040, s20  }
.LBB1_3:
0x28: {  	s22 =	sshll.u32 s22, $0x2  }
0x29: {  	s23 =	sshra.s32 s22, $0x2  }
0x2a: {  	s22 =	sadd.s32 s23, s20  }
0x2b: {  	v1 =	vmov s22;
	_ =	sdelay $0x3  }
0x2c: {  	s22 =	simm.s32 $0x0  }
0x2d: {  	s23 =	sadd.s32 s23, s21;
	v7 =	vld.idx.msk [tilespmem:v1+s22+$0x70 ss:$0x1], $0xffff  }
0x2e: {  	v0 =	vmov s23;
	v8 =	vld.idx.msk [tilespmem:v1+s22+$0x0 ss:$0x1], $0xffff  }
0x2f: {  	v6 =	vld.idx.msk [tilespmem:v1+s22+$0x10 ss:$0x1], $0xffff  }
0x30: {  	v5 =	vld.idx.msk [tilespmem:v1+s22+$0x20 ss:$0x1], $0xffff  }
0x31: {  	v4 =	vld.idx.msk [tilespmem:v1+s22+$0x30 ss:$0x1], $0xffff  }
0x32: {  	v2 =	vld.idx.msk [tilespmem:v1+s22+$0x40 ss:$0x1], $0xffff  }
0x33: {  	v3 =	vld.idx.msk [tilespmem:v1+s22+$0x50 ss:$0x1], $0xffff;
	[tilespmem:v0+s22+$0x30 ss:$0x1] =	vst.idx.msk $0xffff, v7  }
0x34: {  	p0 =	por p1, p1;
	s24 =	simm.s32 $0x400;
	s23 =	simm.s32 $0x80;
	[tilespmem:v0+s22+$0xFFFFFFC0 ss:$0x1] =	vst.idx.msk $0xffff, v8;
	v7 =	vld.idx.msk [tilespmem:v1+s22+$0x60 ss:$0x1], $0xffff  }
.LBB1_4:
0x35: {  	p1 =	sne.s32 s24, $0x7E00;
	v8 =	vld.idx.msk [tilespmem:v1+s23+$0x70 ss:$0x1], $0xffff;
	[tilespmem:v0+s22+$0xFFFFFFD0 ss:$0x1] =	vst.idx.msk $0xffff, v6  }
0x36: {  	v9 =	vld.idx.msk [tilespmem:v1+s23+$0x0 ss:$0x1], $0xffff;
	[tilespmem:v0+s22+$0xFFFFFFE0 ss:$0x1] =	vst.idx.msk $0xffff, v5  }
0x37: {  	v6 =	vld.idx.msk [tilespmem:v1+s23+$0x10 ss:$0x1], $0xffff;
	[tilespmem:v0+s22+$0xFFFFFFF0 ss:$0x1] =	vst.idx.msk $0xffff, v4  }
.Ltmp3:
0x38: {  	v5 =	vld.idx.msk [tilespmem:v1+s23+$0x20 ss:$0x1], $0xffff;
	[tilespmem:v0+s22+$0x0 ss:$0x1] =	vst.idx.msk $0xffff, v2;
	(pc) =	sbr.rel @p1 .LBB1_4-.Ltmp3, $4  }
0x39: {  	v4 =	vld.idx.msk [tilespmem:v1+s23+$0x30 ss:$0x1], $0xffff;
	[tilespmem:v0+s22+$0x10 ss:$0x1] =	vst.idx.msk $0xffff, v3  }
0x3a: {  	v2 =	vld.idx.msk [tilespmem:v1+s23+$0x40 ss:$0x1], $0xffff;
	[tilespmem:v0+s22+$0x20 ss:$0x1] =	vst.idx.msk $0xffff, v7;
	s22 =	smov.u32 s23  }
0x3b: {  	v3 =	vld.idx.msk [tilespmem:v1+s22+$0x50 ss:$0x1], $0xffff;
	[tilespmem:v0+s22+$0x30 ss:$0x1] =	vst.idx.msk $0xffff, v8  }
0x3c: {  	s23 =	sshra.s32 s24, $0x2;
	s24 =	sadd.s32 $0x200, s24;
	[tilespmem:v0+s22+$0xFFFFFFC0 ss:$0x1] =	vst.idx.msk $0xffff, v9;
	v7 =	vld.idx.msk [tilespmem:v1+s22+$0x60 ss:$0x1], $0xffff  }
0x3d: {  	_ =	sdelay $0x3  }
0x3e: {  	[tilespmem:v0+s22+$0xFFFFFFD0 ss:$0x1] =	vst.idx.msk $0xffff, v6  }
0x3f: {  	v56 =	vld.idx.msk [tilespmem:v1+s23+$0x70 ss:$0x1], $0xffff;
	[tilespmem:v0+s22+$0xFFFFFFE0 ss:$0x1] =	vst.idx.msk $0xffff, v5  }
0x40: {  	v57 =	vld.idx.msk [tilespmem:v1+s23+$0x0 ss:$0x1], $0xffff;
	[tilespmem:v0+s22+$0xFFFFFFF0 ss:$0x1] =	vst.idx.msk $0xffff, v4  }
0x41: {  	v58 =	vld.idx.msk [tilespmem:v1+s23+$0x10 ss:$0x1], $0xffff;
	[tilespmem:v0+s22+$0x0 ss:$0x1] =	vst.idx.msk $0xffff, v2  }
0x42: {  	v59 =	vld.idx.msk [tilespmem:v1+s23+$0x20 ss:$0x1], $0xffff;
	[tilespmem:v0+s22+$0x10 ss:$0x1] =	vst.idx.msk $0xffff, v3  }
0x43: {  	v60 =	vld.idx.msk [tilespmem:v1+s23+$0x30 ss:$0x1], $0xffff;
	[tilespmem:v0+s22+$0x20 ss:$0x1] =	vst.idx.msk $0xffff, v7  }
0x44: {  	v61 =	vld.idx.msk [tilespmem:v1+s23+$0x40 ss:$0x1], $0xffff;
	[tilespmem:v0+s23+$0x30 ss:$0x1] =	vst.idx.msk $0xffff, v56  }
0x45: {  	v62 =	vld.idx.msk [tilespmem:v1+s23+$0x50 ss:$0x1], $0xffff;
	[tilespmem:v0+s23+$0xFFFFFFC0 ss:$0x1] =	vst.idx.msk $0xffff, v57  }
0x46: {  	v63 =	vld.idx.msk [tilespmem:v1+s23+$0x60 ss:$0x1], $0xffff;
	[tilespmem:v0+s23+$0xFFFFFFD0 ss:$0x1] =	vst.idx.msk $0xffff, v58  }
.Ltmp4:
0x47: {  	[tilespmem:v0+s23+$0xFFFFFFE0 ss:$0x1] =	vst.idx.msk $0xffff, v59;
	(pc) =	sbr.rel @p0 .LBB1_3-.Ltmp4, $4  }
0x48: {  	[tilespmem:v0+s23+$0xFFFFFFF0 ss:$0x1] =	vst.idx.msk $0xffff, v60  }
0x49: {  	[tilespmem:v0+s23+$0x0 ss:$0x1] =	vst.idx.msk $0xffff, v61  }
0x4a: {  	[tilespmem:v0+s23+$0x10 ss:$0x1] =	vst.idx.msk $0xffff, v62  }
0x4b: {  	p1 =	por $0x0, $0x0;
	s22 =	simm.s32 $0x2000;
	[tilespmem:v0+s23+$0x20 ss:$0x1] =	vst.idx.msk $0xffff, v63  }
0x4c: {  	s18 =	smul.u32 $0x1FC00, s18  }
.Ltmp5:
0x4d: {  	_ = 	snop;
	(pc) =	sbr.rel .LBB1_7-.Ltmp5, $4  }
0x4e: {  	s16 =	sshll.u32 s16, $0xA;
	s17 =	sshll.u32 s17, $0x4;
	s18 =	sadd.s32 s2, s18  }
0x4f: {  	s17 =	sand.u32 $0x3F0, s17;
	s16 =	sadd.s32 s16, s18  }
0x50: {  	s16 =	sadd.s32 s17, s16  }
0x51: {  	[hbm4b:s16+s9] =	stream.strided.scatter [tilespmem:s19], [sflag:$0x2], $0x4000, s10, s9, $0x38;
	[tilespmem:$0x10000] =	vst v63  }
.LBB1_8:
0x52: {  	_ =	sfence.sel $0x180000  }
0x53: {  	s2 =	simm.s32 $0x1;
	[bflag:$0x0] =	sbarrier.arrive $0xFFFF  }
0x54: {  	s31 =	simm.s32 $0x2;
	[sflag:s2] =	ssyncpa.u1 $0x1  }
0x55: {  	[sflag:s31] =	ssyncpa.u1 $0x1  }
0x56: {  	p0 =	sne.s32 s0, $0x0;
	_ =	strace $0x9000004D  }
0x57: {  	s0 =	sadd.s32 @!p0 $0x100000, s1;
	[bflag:$0x2] =	sbarrier.arrive $0xFFFF  }
0x58: {  	[sflag:s0] =	ssyncadd.tile.s32 @!p0 $0x1;
	_ =	shalt  }
.Lfunc_end1:
_tile_overlayer_lowered:
.L_overlay_start_2:
0x59: {  	(tag) =	ssettag $0x2  }
0x5a: {  	s0 =	rddreg [dreg:$0x0];
	s2 =	stileid.u32  }
0x5b: {  	s1 =	rddreg [dreg:$0x1];
	p0 =	sne.s32 s2, $0x0  }
0x5c: {  	s3 =	rddreg [dreg:$0x2];
	[bflag:$0x3] =	sbarrier.arrive $0xFFFF;
	s2 =	simm.s32 @!p0 $0x1C01  }
0x5d: {  	[timem:s3], [sflag:s2] =	dma.local @!p0 [hbm:s0], s1  }
0x5e: {  	s0 =	simm.s32 @!p0 $0x1  }
0x5f: {  	_ =	swait.ge @!p0 [sflag:s0], s1  }
0x60: {  	s1 =	ssub.s32 @!p0 $0x0, s1;
	[sflag:s0] =	ssyncset.done @!p0 $0x0  }
0x61: {  	[sflag:s0] =	ssyncadd.s32 @!p0 s1  }
0x62: {  	[bflag:$0x3] =	sbarrier.arrive $0xFFFF  }
0x63: {  	_ =	shalt  }

</sc_bundles>
